<compile_context>
chip_gen: v7x
topology: tpu7x:2x2x1
jax: 0.10.2.dev20260603
libtpu: 0.0.44.dev20260713+nightly
codegen_flags: <defaults>
</compile_context>

<pallas_src>
import jax
import jax.numpy as jnp
from jax import lax
from jax.experimental import pallas as pl
from jax.experimental.pallas import tpu as pltpu
from jax.experimental.pallas import tpu_sc as plsc

_N = 16384
_M = 200
_D = 64
_V = 1000
_NC, _NS = 2, 16
_NW = _NC * _NS
_ROWS_PER_W = _N // _NW
_K = 4
_G = _ROWS_PER_W // _K
_CH = ((0, 128), (128, _M - 128))


def _emb_body(idx_hbm, table_hbm, out_hbm, table_sh, idx_v, rows_v, gsem, osem):
    sid = lax.axis_index("s")
    wid = sid * _NC + lax.axis_index("c")
    row_base = wid * _ROWS_PER_W

    pltpu.sync_copy(table_hbm, table_sh)

    def fire_group(g, b):
        r0 = row_base + g * _K
        pltpu.sync_copy(idx_hbm.at[pl.ds(r0, _K)], idx_v.at[b])
        for j in range(_K):
            for (o, w) in _CH:
                pltpu.async_copy(
                    table_sh.at[idx_v.at[b].at[j].at[pl.ds(o, w)]],
                    rows_v.at[b].at[j].at[pl.ds(o, w)],
                    gsem,
                )

    def drain_group(b):
        for j in range(_K):
            for (o, w) in _CH:
                pltpu.make_async_copy(
                    table_sh.at[idx_v.at[b].at[j].at[pl.ds(o, w)]],
                    rows_v.at[b].at[j].at[pl.ds(o, w)],
                    gsem,
                ).wait()

    def drain_out(b):
        pltpu.make_async_copy(
            rows_v.at[b], out_hbm.at[pl.ds(0, _K)], osem
        ).wait()

    fire_group(0, 0)

    def pair(p, carry):
        g0 = p * 2
        for b in range(2):
            gg = g0 + b
            nb = 1 - b
            drain_group(b)
            pltpu.async_copy(
                rows_v.at[b], out_hbm.at[pl.ds(row_base + gg * _K, _K)], osem
            )

            @pl.when(gg >= 1)
            def _():
                drain_out(nb)

            @pl.when(gg + 1 < _G)
            def _():
                fire_group(gg + 1, nb)
        return carry

    lax.fori_loop(0, _G // 2, pair, 0)
    drain_out(1)


def kernel(input, weight):
    mesh = plsc.VectorSubcoreMesh(core_axis_name="c", subcore_axis_name="s")
    call = pl.kernel(
        _emb_body,
        out_type=jax.ShapeDtypeStruct((_N, _M, _D), jnp.float32),
        mesh=mesh,
        scratch_types=[
            pltpu.VMEM_SHARED((_V, _D), jnp.float32),
            pltpu.VMEM((2, _K, _M), jnp.int32),
            pltpu.VMEM((2, _K, _M, _D), jnp.float32),
            pltpu.SemaphoreType.DMA,
            pltpu.SemaphoreType.DMA,
        ],
        compiler_params=pltpu.CompilerParams(use_tc_tiling_on_sc=False),
    )
    return call(input.astype(jnp.int32), weight)

# --- scband reference (transcript-rebuilt; emitter-appended) ---
"""Pipeline reference for scband-separated-embedding-43696997269517 (READ-ONLY COPY).

The authoritative reference and input builder live on the scoring server;
editing this copy changes nothing except your own understanding.
"""

import jax, jax.numpy as jnp
import numpy as np


def setup_inputs(seed: int = 0) -> dict:
    key = jax.random.key(seed)
    k1, k2 = jax.random.split(key)
    # indices into the embedding table, values in [0, num_embeddings)
    inp = jax.random.randint(k1, (16384, 200), 0, 1000)
    # The torch module builds the table by stacking num_embeddings separate
    # parameters of shape [embedding_dim]; the stacked result is a standard
    # [num_embeddings, embedding_dim] table initialized with randn.
    weight = jax.random.normal(k2, (1000, 64), dtype=jnp.float32)
    return {"input": inp, "weight": weight}


def reference(input, weight):
    # forward: weight = stack(params); return weight[input]
    return jnp.take(weight, input, axis=0)

if __name__ == "__main__":
    import jax
    _d = setup_inputs()
    print(jax.jit(kernel)(*tuple(_d.values())))

</pallas_src>

<mosaic_0001>
#map = affine_map<(d0, d1) -> (0, 0)>
#map1 = affine_map<(d0, d1) -> (0, 0, 0)>
module attributes {stable_mosaic.version = 14 : i64} {
  func.func @_emb_body(%arg0: i32, %arg1: i32, %arg2: memref<16384x200xi32, #tpu.memory_space<hbm>>, %arg3: memref<1000x64xf32, #tpu.memory_space<hbm>>, %arg4: memref<16384x200x64xf32, #tpu.memory_space<hbm>>, %arg5: memref<1000x64xf32, #tpu.memory_space<vmem_shared>>, %arg6: memref<2x4x200xi32, #tpu.memory_space<vmem>>, %arg7: memref<2x4x200x64xf32, #tpu.memory_space<vmem>>, %arg8: memref<!tpu.dma_semaphore, #tpu.memory_space<semaphore_mem>>, %arg9: memref<!tpu.dma_semaphore, #tpu.memory_space<semaphore_mem>>) attributes {dimension_semantics = [#tpu.dimension_semantics<core_parallel>, #tpu.dimension_semantics<subcore_parallel>], iteration_bounds = array<i64: 2, 16>, scalar_prefetch = 0 : i64, scratch_operands = 5 : i64, tpu.core_type = #tpu.core_type<sc_vector_subcore>, window_params = [{transform_indices = #map}, {transform_indices = #map}, {transform_indices = #map1}]} {
    %mul3A = arith.constant 2 : i32
    %mul3A_0 = arith.muli %arg1, %mul3A : i32
    %add3A = arith.addi %mul3A_0, %arg0 : i32
    %mul3A_1 = arith.constant 512 : i32
    %mul3A_2 = arith.muli %add3A, %mul3A_1 : i32
    "tpu.region"() ({
      %run_scoped3A_251 = tpu.sem_alloc : memref<!tpu.dma_semaphore, #tpu.memory_space<semaphore_mem>>
      tpu.enqueue_dma source(%arg3 : memref<1000x64xf32, #tpu.memory_space<hbm>>) target(%arg5 : memref<1000x64xf32, #tpu.memory_space<vmem_shared>>) target_semaphore(%run_scoped3A_251 : memref<!tpu.dma_semaphore, #tpu.memory_space<semaphore_mem>>)
      tpu.wait_dma2 semaphore(%run_scoped3A_251 : memref<!tpu.dma_semaphore, #tpu.memory_space<semaphore_mem>>) src(%arg3 : memref<1000x64xf32, #tpu.memory_space<hbm>>) dst(%arg5 : memref<1000x64xf32, #tpu.memory_space<vmem_shared>>)
      tpu.yield
    }) : () -> ()
    %add3A_3 = arith.constant 0 : i32
    %add3A_4 = arith.addi %mul3A_2, %add3A_3 : i32
    %run_scoped3A = arith.constant 0 : i32
    "tpu.region"() ({
      %run_scoped3A_251 = tpu.sem_alloc : memref<!tpu.dma_semaphore, #tpu.memory_space<semaphore_mem>>
      %dma_start3A_252 = arith.constant 0 : i32
      %dma_start3A_253 = arith.constant 0 : i32
      %dma_start3A_254 = tpu.memref_slice %arg6[%run_scoped3A, %dma_start3A_252, %dma_start3A_253] : memref<2x4x200xi32, #tpu.memory_space<vmem>> -> memref<1x4x200xi32, #tpu.memory_space<vmem>>
      %dma_start3A_255 = tpu.memref_squeeze %dma_start3A_254 : memref<1x4x200xi32, #tpu.memory_space<vmem>> -> memref<4x200xi32, #tpu.memory_space<vmem>>
      %dma_start3A_256 = arith.constant 0 : i32
      %dma_start3A_257 = tpu.memref_slice %arg2[%add3A_4, %dma_start3A_256] : memref<16384x200xi32, #tpu.memory_space<hbm>> -> memref<4x200xi32, #tpu.memory_space<hbm>>
      %dma_start3A_258 = arith.constant 0 : i32
      %dma_start3A_259 = arith.constant 0 : i32
      %dma_start3A_260 = tpu.memref_slice %arg6[%run_scoped3A, %dma_start3A_258, %dma_start3A_259] : memref<2x4x200xi32, #tpu.memory_space<vmem>> -> memref<1x4x200xi32, #tpu.memory_space<vmem>>
      %dma_start3A_261 = tpu.memref_squeeze %dma_start3A_260 : memref<1x4x200xi32, #tpu.memory_space<vmem>> -> memref<4x200xi32, #tpu.memory_space<vmem>>
      %dma_start3A_262 = arith.constant 0 : i32
      %dma_start3A_263 = tpu.memref_slice %arg2[%add3A_4, %dma_start3A_262] : memref<16384x200xi32, #tpu.memory_space<hbm>> -> memref<4x200xi32, #tpu.memory_space<hbm>>
      tpu.enqueue_dma source(%dma_start3A_263 : memref<4x200xi32, #tpu.memory_space<hbm>>) target(%dma_start3A_261 : memref<4x200xi32, #tpu.memory_space<vmem>>) target_semaphore(%run_scoped3A_251 : memref<!tpu.dma_semaphore, #tpu.memory_space<semaphore_mem>>)
      %dma_wait3A_264 = arith.constant 0 : i32
      %dma_wait3A_265 = arith.constant 0 : i32
      %dma_wait3A_266 = tpu.memref_slice %arg6[%run_scoped3A, %dma_wait3A_264, %dma_wait3A_265] : memref<2x4x200xi32, #tpu.memory_space<vmem>> -> memref<1x4x200xi32, #tpu.memory_space<vmem>>
      %dma_wait3A_267 = tpu.memref_squeeze %dma_wait3A_266 : memref<1x4x200xi32, #tpu.memory_space<vmem>> -> memref<4x200xi32, #tpu.memory_space<vmem>>
      %dma_wait3A_268 = arith.constant 0 : i32
      %dma_wait3A_269 = tpu.memref_slice %arg2[%add3A_4, %dma_wait3A_268] : memref<16384x200xi32, #tpu.memory_space<hbm>> -> memref<4x200xi32, #tpu.memory_space<hbm>>
      %dma_wait3A_270 = arith.constant 0 : i32
      %dma_wait3A_271 = arith.constant 0 : i32
      %dma_wait3A_272 = tpu.memref_slice %arg6[%run_scoped3A, %dma_wait3A_270, %dma_wait3A_271] : memref<2x4x200xi32, #tpu.memory_space<vmem>> -> memref<1x4x200xi32, #tpu.memory_space<vmem>>
      %dma_wait3A_273 = tpu.memref_squeeze %dma_wait3A_272 : memref<1x4x200xi32, #tpu.memory_space<vmem>> -> memref<4x200xi32, #tpu.memory_space<vmem>>
      %dma_wait3A_274 = arith.constant 0 : i32
      %dma_wait3A_275 = tpu.memref_slice %arg2[%add3A_4, %dma_wait3A_274] : memref<16384x200xi32, #tpu.memory_space<hbm>> -> memref<4x200xi32, #tpu.memory_space<hbm>>
      tpu.wait_dma2 semaphore(%run_scoped3A_251 : memref<!tpu.dma_semaphore, #tpu.memory_space<semaphore_mem>>) src(%dma_wait3A_275 : memref<4x200xi32, #tpu.memory_space<hbm>>) dst(%dma_wait3A_273 : memref<4x200xi32, #tpu.memory_space<vmem>>)
      tpu.yield
    }) : () -> ()
    %dma_start3A = arith.constant 0 : i32
    %dma_start3A_5 = arith.constant 0 : i32
    %dma_start3A_6 = arith.constant 0 : i32
    %dma_start3A_7 = arith.constant 0 : i32
    %dma_start3A_8 = arith.constant 0 : i32
    %dma_start3A_9 = arith.constant 0 : i32
    %dma_start3A_10 = arith.constant 0 : i32
    %dma_start3A_11 = tpu.memref_slice %arg7[%dma_start3A_6, %dma_start3A_8, %dma_start3A_9, %dma_start3A_10] : memref<2x4x200x64xf32, #tpu.memory_space<vmem>> -> memref<1x4x200x64xf32, #tpu.memory_space<vmem>>
    %dma_start3A_12 = tpu.memref_squeeze %dma_start3A_11 : memref<1x4x200x64xf32, #tpu.memory_space<vmem>> -> memref<4x200x64xf32, #tpu.memory_space<vmem>>
    %dma_start3A_13 = arith.constant 0 : i32
    %dma_start3A_14 = arith.constant 0 : i32
    %dma_start3A_15 = tpu.memref_slice %dma_start3A_12[%dma_start3A_7, %dma_start3A_13, %dma_start3A_14] : memref<4x200x64xf32, #tpu.memory_space<vmem>> -> memref<1x200x64xf32, #tpu.memory_space<vmem>>
    %dma_start3A_16 = tpu.memref_squeeze %dma_start3A_15 : memref<1x200x64xf32, #tpu.memory_space<vmem>> -> memref<200x64xf32, #tpu.memory_space<vmem>>
    %dma_start3A_17 = arith.constant 0 : i32
    %dma_start3A_18 = arith.constant 0 : i32
    %dma_start3A_19 = tpu.memref_slice %dma_start3A_16[%dma_start3A_17, %dma_start3A_18] : memref<200x64xf32, #tpu.memory_space<vmem>> -> memref<128x64xf32, #tpu.memory_space<vmem>>
    %dma_start3A_20 = arith.constant 0 : i32
    %dma_start3A_21 = arith.constant 0 : i32
    %dma_start3A_22 = tpu.memref_slice %arg6[%dma_start3A, %dma_start3A_20, %dma_start3A_21] : memref<2x4x200xi32, #tpu.memory_space<vmem>> -> memref<1x4x200xi32, #tpu.memory_space<vmem>>
    %dma_start3A_23 = tpu.memref_squeeze %dma_start3A_22 : memref<1x4x200xi32, #tpu.memory_space<vmem>> -> memref<4x200xi32, #tpu.memory_space<vmem>>
    %dma_start3A_24 = arith.constant 0 : i32
    %dma_start3A_25 = tpu.memref_slice %dma_start3A_23[%dma_start3A_5, %dma_start3A_24] : memref<4x200xi32, #tpu.memory_space<vmem>> -> memref<1x200xi32, #tpu.memory_space<vmem>>
    %dma_start3A_26 = tpu.memref_squeeze %dma_start3A_25 : memref<1x200xi32, #tpu.memory_space<vmem>> -> memref<200xi32, #tpu.memory_space<vmem>>
    %dma_start3A_27 = arith.constant 0 : i32
    %dma_start3A_28 = tpu.memref_slice %dma_start3A_26[%dma_start3A_27] : memref<200xi32, #tpu.memory_space<vmem>> -> memref<128xi32, #tpu.memory_space<vmem>>
    %dma_start3A_29 = arith.constant 0 : i32
    %dma_start3A_30 = arith.constant 0 : i32
    %dma_start3A_31 = tpu.memref_slice %arg5[%dma_start3A_29, %dma_start3A_30] : memref<1000x64xf32, #tpu.memory_space<vmem_shared>> -> memref<1000x64xf32, #tpu.memory_space<vmem_shared>>
    tpu.enqueue_indirect_dma source(%dma_start3A_31 : memref<1000x64xf32, #tpu.memory_space<vmem_shared>>) target(%dma_start3A_19 : memref<128x64xf32, #tpu.memory_space<vmem>>) offsets(%dma_start3A_28 : memref<128xi32, #tpu.memory_space<vmem>>) semaphore(%arg8 : memref<!tpu.dma_semaphore, #tpu.memory_space<semaphore_mem>>)
    %dma_start3A_32 = arith.constant 0 : i32
    %dma_start3A_33 = arith.constant 0 : i32
    %dma_start3A_34 = arith.constant 0 : i32
    %dma_start3A_35 = arith.constant 0 : i32
    %dma_start3A_36 = arith.constant 0 : i32
    %dma_start3A_37 = arith.constant 0 : i32
    %dma_start3A_38 = arith.constant 0 : i32
    %dma_start3A_39 = tpu.memref_slice %arg7[%dma_start3A_34, %dma_start3A_36, %dma_start3A_37, %dma_start3A_38] : memref<2x4x200x64xf32, #tpu.memory_space<vmem>> -> memref<1x4x200x64xf32, #tpu.memory_space<vmem>>
    %dma_start3A_40 = tpu.memref_squeeze %dma_start3A_39 : memref<1x4x200x64xf32, #tpu.memory_space<vmem>> -> memref<4x200x64xf32, #tpu.memory_space<vmem>>
    %dma_start3A_41 = arith.constant 0 : i32
    %dma_start3A_42 = arith.constant 0 : i32
    %dma_start3A_43 = tpu.memref_slice %dma_start3A_40[%dma_start3A_35, %dma_start3A_41, %dma_start3A_42] : memref<4x200x64xf32, #tpu.memory_space<vmem>> -> memref<1x200x64xf32, #tpu.memory_space<vmem>>
    %dma_start3A_44 = tpu.memref_squeeze %dma_start3A_43 : memref<1x200x64xf32, #tpu.memory_space<vmem>> -> memref<200x64xf32, #tpu.memory_space<vmem>>
    %dma_start3A_45 = arith.constant 128 : i32
    %dma_start3A_46 = arith.constant 0 : i32
    %dma_start3A_47 = tpu.memref_slice %dma_start3A_44[%dma_start3A_45, %dma_start3A_46] : memref<200x64xf32, #tpu.memory_space<vmem>> -> memref<72x64xf32, #tpu.memory_space<vmem>>
    %dma_start3A_48 = arith.constant 0 : i32
    %dma_start3A_49 = arith.constant 0 : i32
    %dma_start3A_50 = tpu.memref_slice %arg6[%dma_start3A_32, %dma_start3A_48, %dma_start3A_49] : memref<2x4x200xi32, #tpu.memory_space<vmem>> -> memref<1x4x200xi32, #tpu.memory_space<vmem>>
    %dma_start3A_51 = tpu.memref_squeeze %dma_start3A_50 : memref<1x4x200xi32, #tpu.memory_space<vmem>> -> memref<4x200xi32, #tpu.memory_space<vmem>>
    %dma_start3A_52 = arith.constant 0 : i32
    %dma_start3A_53 = tpu.memref_slice %dma_start3A_51[%dma_start3A_33, %dma_start3A_52] : memref<4x200xi32, #tpu.memory_space<vmem>> -> memref<1x200xi32, #tpu.memory_space<vmem>>
    %dma_start3A_54 = tpu.memref_squeeze %dma_start3A_53 : memref<1x200xi32, #tpu.memory_space<vmem>> -> memref<200xi32, #tpu.memory_space<vmem>>
    %dma_start3A_55 = arith.constant 128 : i32
    %dma_start3A_56 = tpu.memref_slice %dma_start3A_54[%dma_start3A_55] : memref<200xi32, #tpu.memory_space<vmem>> -> memref<72xi32, #tpu.memory_space<vmem>>
    %dma_start3A_57 = arith.constant 0 : i32
    %dma_start3A_58 = arith.constant 0 : i32
    %dma_start3A_59 = tpu.memref_slice %arg5[%dma_start3A_57, %dma_start3A_58] : memref<1000x64xf32, #tpu.memory_space<vmem_shared>> -> memref<1000x64xf32, #tpu.memory_space<vmem_shared>>
    tpu.enqueue_indirect_dma source(%dma_start3A_59 : memref<1000x64xf32, #tpu.memory_space<vmem_shared>>) target(%dma_start3A_47 : memref<72x64xf32, #tpu.memory_space<vmem>>) offsets(%dma_start3A_56 : memref<72xi32, #tpu.memory_space<vmem>>) semaphore(%arg8 : memref<!tpu.dma_semaphore, #tpu.memory_space<semaphore_mem>>)
    %dma_start3A_60 = arith.constant 0 : i32
    %dma_start3A_61 = arith.constant 1 : i32
    %dma_start3A_62 = arith.constant 0 : i32
    %dma_start3A_63 = arith.constant 1 : i32
    %dma_start3A_64 = arith.constant 0 : i32
    %dma_start3A_65 = arith.constant 0 : i32
    %dma_start3A_66 = arith.constant 0 : i32
    %dma_start3A_67 = tpu.memref_slice %arg7[%dma_start3A_62, %dma_start3A_64, %dma_start3A_65, %dma_start3A_66] : memref<2x4x200x64xf32, #tpu.memory_space<vmem>> -> memref<1x4x200x64xf32, #tpu.memory_space<vmem>>
    %dma_start3A_68 = tpu.memref_squeeze %dma_start3A_67 : memref<1x4x200x64xf32, #tpu.memory_space<vmem>> -> memref<4x200x64xf32, #tpu.memory_space<vmem>>
    %dma_start3A_69 = arith.constant 0 : i32
    %dma_start3A_70 = arith.constant 0 : i32
    %dma_start3A_71 = tpu.memref_slice %dma_start3A_68[%dma_start3A_63, %dma_start3A_69, %dma_start3A_70] : memref<4x200x64xf32, #tpu.memory_space<vmem>> -> memref<1x200x64xf32, #tpu.memory_space<vmem>>
    %dma_start3A_72 = tpu.memref_squeeze %dma_start3A_71 : memref<1x200x64xf32, #tpu.memory_space<vmem>> -> memref<200x64xf32, #tpu.memory_space<vmem>>
    %dma_start3A_73 = arith.constant 0 : i32
    %dma_start3A_74 = arith.constant 0 : i32
    %dma_start3A_75 = tpu.memref_slice %dma_start3A_72[%dma_start3A_73, %dma_start3A_74] : memref<200x64xf32, #tpu.memory_space<vmem>> -> memref<128x64xf32, #tpu.memory_space<vmem>>
    %dma_start3A_76 = arith.constant 0 : i32
    %dma_start3A_77 = arith.constant 0 : i32
    %dma_start3A_78 = tpu.memref_slice %arg6[%dma_start3A_60, %dma_start3A_76, %dma_start3A_77] : memref<2x4x200xi32, #tpu.memory_space<vmem>> -> memref<1x4x200xi32, #tpu.memory_space<vmem>>
    %dma_start3A_79 = tpu.memref_squeeze %dma_start3A_78 : memref<1x4x200xi32, #tpu.memory_space<vmem>> -> memref<4x200xi32, #tpu.memory_space<vmem>>
    %dma_start3A_80 = arith.constant 0 : i32
    %dma_start3A_81 = tpu.memref_slice %dma_start3A_79[%dma_start3A_61, %dma_start3A_80] : memref<4x200xi32, #tpu.memory_space<vmem>> -> memref<1x200xi32, #tpu.memory_space<vmem>>
    %dma_start3A_82 = tpu.memref_squeeze %dma_start3A_81 : memref<1x200xi32, #tpu.memory_space<vmem>> -> memref<200xi32, #tpu.memory_space<vmem>>
    %dma_start3A_83 = arith.constant 0 : i32
    %dma_start3A_84 = tpu.memref_slice %dma_start3A_82[%dma_start3A_83] : memref<200xi32, #tpu.memory_space<vmem>> -> memref<128xi32, #tpu.memory_space<vmem>>
    %dma_start3A_85 = arith.constant 0 : i32
    %dma_start3A_86 = arith.constant 0 : i32
    %dma_start3A_87 = tpu.memref_slice %arg5[%dma_start3A_85, %dma_start3A_86] : memref<1000x64xf32, #tpu.memory_space<vmem_shared>> -> memref<1000x64xf32, #tpu.memory_space<vmem_shared>>
    tpu.enqueue_indirect_dma source(%dma_start3A_87 : memref<1000x64xf32, #tpu.memory_space<vmem_shared>>) target(%dma_start3A_75 : memref<128x64xf32, #tpu.memory_space<vmem>>) offsets(%dma_start3A_84 : memref<128xi32, #tpu.memory_space<vmem>>) semaphore(%arg8 : memref<!tpu.dma_semaphore, #tpu.memory_space<semaphore_mem>>)
    %dma_start3A_88 = arith.constant 0 : i32
    %dma_start3A_89 = arith.constant 1 : i32
    %dma_start3A_90 = arith.constant 0 : i32
    %dma_start3A_91 = arith.constant 1 : i32
    %dma_start3A_92 = arith.constant 0 : i32
    %dma_start3A_93 = arith.constant 0 : i32
    %dma_start3A_94 = arith.constant 0 : i32
    %dma_start3A_95 = tpu.memref_slice %arg7[%dma_start3A_90, %dma_start3A_92, %dma_start3A_93, %dma_start3A_94] : memref<2x4x200x64xf32, #tpu.memory_space<vmem>> -> memref<1x4x200x64xf32, #tpu.memory_space<vmem>>
    %dma_start3A_96 = tpu.memref_squeeze %dma_start3A_95 : memref<1x4x200x64xf32, #tpu.memory_space<vmem>> -> memref<4x200x64xf32, #tpu.memory_space<vmem>>
    %dma_start3A_97 = arith.constant 0 : i32
    %dma_start3A_98 = arith.constant 0 : i32
    %dma_start3A_99 = tpu.memref_slice %dma_start3A_96[%dma_start3A_91, %dma_start3A_97, %dma_start3A_98] : memref<4x200x64xf32, #tpu.memory_space<vmem>> -> memref<1x200x64xf32, #tpu.memory_space<vmem>>
    %dma_start3A_100 = tpu.memref_squeeze %dma_start3A_99 : memref<1x200x64xf32, #tpu.memory_space<vmem>> -> memref<200x64xf32, #tpu.memory_space<vmem>>
    %dma_start3A_101 = arith.constant 128 : i32
    %dma_start3A_102 = arith.constant 0 : i32
    %dma_start3A_103 = tpu.memref_slice %dma_start3A_100[%dma_start3A_101, %dma_start3A_102] : memref<200x64xf32, #tpu.memory_space<vmem>> -> memref<72x64xf32, #tpu.memory_space<vmem>>
    %dma_start3A_104 = arith.constant 0 : i32
    %dma_start3A_105 = arith.constant 0 : i32
    %dma_start3A_106 = tpu.memref_slice %arg6[%dma_start3A_88, %dma_start3A_104, %dma_start3A_105] : memref<2x4x200xi32, #tpu.memory_space<vmem>> -> memref<1x4x200xi32, #tpu.memory_space<vmem>>
    %dma_start3A_107 = tpu.memref_squeeze %dma_start3A_106 : memref<1x4x200xi32, #tpu.memory_space<vmem>> -> memref<4x200xi32, #tpu.memory_space<vmem>>
    %dma_start3A_108 = arith.constant 0 : i32
    %dma_start3A_109 = tpu.memref_slice %dma_start3A_107[%dma_start3A_89, %dma_start3A_108] : memref<4x200xi32, #tpu.memory_space<vmem>> -> memref<1x200xi32, #tpu.memory_space<vmem>>
    %dma_start3A_110 = tpu.memref_squeeze %dma_start3A_109 : memref<1x200xi32, #tpu.memory_space<vmem>> -> memref<200xi32, #tpu.memory_space<vmem>>
    %dma_start3A_111 = arith.constant 128 : i32
    %dma_start3A_112 = tpu.memref_slice %dma_start3A_110[%dma_start3A_111] : memref<200xi32, #tpu.memory_space<vmem>> -> memref<72xi32, #tpu.memory_space<vmem>>
    %dma_start3A_113 = arith.constant 0 : i32
    %dma_start3A_114 = arith.constant 0 : i32
    %dma_start3A_115 = tpu.memref_slice %arg5[%dma_start3A_113, %dma_start3A_114] : memref<1000x64xf32, #tpu.memory_space<vmem_shared>> -> memref<1000x64xf32, #tpu.memory_space<vmem_shared>>
    tpu.enqueue_indirect_dma source(%dma_start3A_115 : memref<1000x64xf32, #tpu.memory_space<vmem_shared>>) target(%dma_start3A_103 : memref<72x64xf32, #tpu.memory_space<vmem>>) offsets(%dma_start3A_112 : memref<72xi32, #tpu.memory_space<vmem>>) semaphore(%arg8 : memref<!tpu.dma_semaphore, #tpu.memory_space<semaphore_mem>>)
    %dma_start3A_116 = arith.constant 0 : i32
    %dma_start3A_117 = arith.constant 2 : i32
    %dma_start3A_118 = arith.constant 0 : i32
    %dma_start3A_119 = arith.constant 2 : i32
    %dma_start3A_120 = arith.constant 0 : i32
    %dma_start3A_121 = arith.constant 0 : i32
    %dma_start3A_122 = arith.constant 0 : i32
    %dma_start3A_123 = tpu.memref_slice %arg7[%dma_start3A_118, %dma_start3A_120, %dma_start3A_121, %dma_start3A_122] : memref<2x4x200x64xf32, #tpu.memory_space<vmem>> -> memref<1x4x200x64xf32, #tpu.memory_space<vmem>>
    %dma_start3A_124 = tpu.memref_squeeze %dma_start3A_123 : memref<1x4x200x64xf32, #tpu.memory_space<vmem>> -> memref<4x200x64xf32, #tpu.memory_space<vmem>>
    %dma_start3A_125 = arith.constant 0 : i32
    %dma_start3A_126 = arith.constant 0 : i32
    %dma_start3A_127 = tpu.memref_slice %dma_start3A_124[%dma_start3A_119, %dma_start3A_125, %dma_start3A_126] : memref<4x200x64xf32, #tpu.memory_space<vmem>> -> memref<1x200x64xf32, #tpu.memory_space<vmem>>
    %dma_start3A_128 = tpu.memref_squeeze %dma_start3A_127 : memref<1x200x64xf32, #tpu.memory_space<vmem>> -> memref<200x64xf32, #tpu.memory_space<vmem>>
    %dma_start3A_129 = arith.constant 0 : i32
    %dma_start3A_130 = arith.constant 0 : i32
    %dma_start3A_131 = tpu.memref_slice %dma_start3A_128[%dma_start3A_129, %dma_start3A_130] : memref<200x64xf32, #tpu.memory_space<vmem>> -> memref<128x64xf32, #tpu.memory_space<vmem>>
    %dma_start3A_132 = arith.constant 0 : i32
    %dma_start3A_133 = arith.constant 0 : i32
    %dma_start3A_134 = tpu.memref_slice %arg6[%dma_start3A_116, %dma_start3A_132, %dma_start3A_133] : memref<2x4x200xi32, #tpu.memory_space<vmem>> -> memref<1x4x200xi32, #tpu.memory_space<vmem>>
    %dma_start3A_135 = tpu.memref_squeeze %dma_start3A_134 : memref<1x4x200xi32, #tpu.memory_space<vmem>> -> memref<4x200xi32, #tpu.memory_space<vmem>>
    %dma_start3A_136 = arith.constant 0 : i32
    %dma_start3A_137 = tpu.memref_slice %dma_start3A_135[%dma_start3A_117, %dma_start3A_136] : memref<4x200xi32, #tpu.memory_space<vmem>> -> memref<1x200xi32, #tpu.memory_space<vmem>>
    %dma_start3A_138 = tpu.memref_squeeze %dma_start3A_137 : memref<1x200xi32, #tpu.memory_space<vmem>> -> memref<200xi32, #tpu.memory_space<vmem>>
    %dma_start3A_139 = arith.constant 0 : i32
    %dma_start3A_140 = tpu.memref_slice %dma_start3A_138[%dma_start3A_139] : memref<200xi32, #tpu.memory_space<vmem>> -> memref<128xi32, #tpu.memory_space<vmem>>
    %dma_start3A_141 = arith.constant 0 : i32
    %dma_start3A_142 = arith.constant 0 : i32
    %dma_start3A_143 = tpu.memref_slice %arg5[%dma_start3A_141, %dma_start3A_142] : memref<1000x64xf32, #tpu.memory_space<vmem_shared>> -> memref<1000x64xf32, #tpu.memory_space<vmem_shared>>
    tpu.enqueue_indirect_dma source(%dma_start3A_143 : memref<1000x64xf32, #tpu.memory_space<vmem_shared>>) target(%dma_start3A_131 : memref<128x64xf32, #tpu.memory_space<vmem>>) offsets(%dma_start3A_140 : memref<128xi32, #tpu.memory_space<vmem>>) semaphore(%arg8 : memref<!tpu.dma_semaphore, #tpu.memory_space<semaphore_mem>>)
    %dma_start3A_144 = arith.constant 0 : i32
    %dma_start3A_145 = arith.constant 2 : i32
    %dma_start3A_146 = arith.constant 0 : i32
    %dma_start3A_147 = arith.constant 2 : i32
    %dma_start3A_148 = arith.constant 0 : i32
    %dma_start3A_149 = arith.constant 0 : i32
    %dma_start3A_150 = arith.constant 0 : i32
    %dma_start3A_151 = tpu.memref_slice %arg7[%dma_start3A_146, %dma_start3A_148, %dma_start3A_149, %dma_start3A_150] : memref<2x4x200x64xf32, #tpu.memory_space<vmem>> -> memref<1x4x200x64xf32, #tpu.memory_space<vmem>>
    %dma_start3A_152 = tpu.memref_squeeze %dma_start3A_151 : memref<1x4x200x64xf32, #tpu.memory_space<vmem>> -> memref<4x200x64xf32, #tpu.memory_space<vmem>>
    %dma_start3A_153 = arith.constant 0 : i32
    %dma_start3A_154 = arith.constant 0 : i32
    %dma_start3A_155 = tpu.memref_slice %dma_start3A_152[%dma_start3A_147, %dma_start3A_153, %dma_start3A_154] : memref<4x200x64xf32, #tpu.memory_space<vmem>> -> memref<1x200x64xf32, #tpu.memory_space<vmem>>
    %dma_start3A_156 = tpu.memref_squeeze %dma_start3A_155 : memref<1x200x64xf32, #tpu.memory_space<vmem>> -> memref<200x64xf32, #tpu.memory_space<vmem>>
    %dma_start3A_157 = arith.constant 128 : i32
    %dma_start3A_158 = arith.constant 0 : i32
    %dma_start3A_159 = tpu.memref_slice %dma_start3A_156[%dma_start3A_157, %dma_start3A_158] : memref<200x64xf32, #tpu.memory_space<vmem>> -> memref<72x64xf32, #tpu.memory_space<vmem>>
    %dma_start3A_160 = arith.constant 0 : i32
    %dma_start3A_161 = arith.constant 0 : i32
    %dma_start3A_162 = tpu.memref_slice %arg6[%dma_start3A_144, %dma_start3A_160, %dma_start3A_161] : memref<2x4x200xi32, #tpu.memory_space<vmem>> -> memref<1x4x200xi32, #tpu.memory_space<vmem>>
    %dma_start3A_163 = tpu.memref_squeeze %dma_start3A_162 : memref<1x4x200xi32, #tpu.memory_space<vmem>> -> memref<4x200xi32, #tpu.memory_space<vmem>>
    %dma_start3A_164 = arith.constant 0 : i32
    %dma_start3A_165 = tpu.memref_slice %dma_start3A_163[%dma_start3A_145, %dma_start3A_164] : memref<4x200xi32, #tpu.memory_space<vmem>> -> memref<1x200xi32, #tpu.memory_space<vmem>>
    %dma_start3A_166 = tpu.memref_squeeze %dma_start3A_165 : memref<1x200xi32, #tpu.memory_space<vmem>> -> memref<200xi32, #tpu.memory_space<vmem>>
    %dma_start3A_167 = arith.constant 128 : i32
    %dma_start3A_168 = tpu.memref_slice %dma_start3A_166[%dma_start3A_167] : memref<200xi32, #tpu.memory_space<vmem>> -> memref<72xi32, #tpu.memory_space<vmem>>
    %dma_start3A_169 = arith.constant 0 : i32
    %dma_start3A_170 = arith.constant 0 : i32
    %dma_start3A_171 = tpu.memref_slice %arg5[%dma_start3A_169, %dma_start3A_170] : memref<1000x64xf32, #tpu.memory_space<vmem_shared>> -> memref<1000x64xf32, #tpu.memory_space<vmem_shared>>
    tpu.enqueue_indirect_dma source(%dma_start3A_171 : memref<1000x64xf32, #tpu.memory_space<vmem_shared>>) target(%dma_start3A_159 : memref<72x64xf32, #tpu.memory_space<vmem>>) offsets(%dma_start3A_168 : memref<72xi32, #tpu.memory_space<vmem>>) semaphore(%arg8 : memref<!tpu.dma_semaphore, #tpu.memory_space<semaphore_mem>>)
    %dma_start3A_172 = arith.constant 0 : i32
    %dma_start3A_173 = arith.constant 3 : i32
    %dma_start3A_174 = arith.constant 0 : i32
    %dma_start3A_175 = arith.constant 3 : i32
    %dma_start3A_176 = arith.constant 0 : i32
    %dma_start3A_177 = arith.constant 0 : i32
    %dma_start3A_178 = arith.constant 0 : i32
    %dma_start3A_179 = tpu.memref_slice %arg7[%dma_start3A_174, %dma_start3A_176, %dma_start3A_177, %dma_start3A_178] : memref<2x4x200x64xf32, #tpu.memory_space<vmem>> -> memref<1x4x200x64xf32, #tpu.memory_space<vmem>>
    %dma_start3A_180 = tpu.memref_squeeze %dma_start3A_179 : memref<1x4x200x64xf32, #tpu.memory_space<vmem>> -> memref<4x200x64xf32, #tpu.memory_space<vmem>>
    %dma_start3A_181 = arith.constant 0 : i32
    %dma_start3A_182 = arith.constant 0 : i32
    %dma_start3A_183 = tpu.memref_slice %dma_start3A_180[%dma_start3A_175, %dma_start3A_181, %dma_start3A_182] : memref<4x200x64xf32, #tpu.memory_space<vmem>> -> memref<1x200x64xf32, #tpu.memory_space<vmem>>
    %dma_start3A_184 = tpu.memref_squeeze %dma_start3A_183 : memref<1x200x64xf32, #tpu.memory_space<vmem>> -> memref<200x64xf32, #tpu.memory_space<vmem>>
    %dma_start3A_185 = arith.constant 0 : i32
    %dma_start3A_186 = arith.constant 0 : i32
    %dma_start3A_187 = tpu.memref_slice %dma_start3A_184[%dma_start3A_185, %dma_start3A_186] : memref<200x64xf32, #tpu.memory_space<vmem>> -> memref<128x64xf32, #tpu.memory_space<vmem>>
    %dma_start3A_188 = arith.constant 0 : i32
    %dma_start3A_189 = arith.constant 0 : i32
    %dma_start3A_190 = tpu.memref_slice %arg6[%dma_start3A_172, %dma_start3A_188, %dma_start3A_189] : memref<2x4x200xi32, #tpu.memory_space<vmem>> -> memref<1x4x200xi32, #tpu.memory_space<vmem>>
    %dma_start3A_191 = tpu.memref_squeeze %dma_start3A_190 : memref<1x4x200xi32, #tpu.memory_space<vmem>> -> memref<4x200xi32, #tpu.memory_space<vmem>>
    %dma_start3A_192 = arith.constant 0 : i32
    %dma_start3A_193 = tpu.memref_slice %dma_start3A_191[%dma_start3A_173, %dma_start3A_192] : memref<4x200xi32, #tpu.memory_space<vmem>> -> memref<1x200xi32, #tpu.memory_space<vmem>>
    %dma_start3A_194 = tpu.memref_squeeze %dma_start3A_193 : memref<1x200xi32, #tpu.memory_space<vmem>> -> memref<200xi32, #tpu.memory_space<vmem>>
    %dma_start3A_195 = arith.constant 0 : i32
    %dma_start3A_196 = tpu.memref_slice %dma_start3A_194[%dma_start3A_195] : memref<200xi32, #tpu.memory_space<vmem>> -> memref<128xi32, #tpu.memory_space<vmem>>
    %dma_start3A_197 = arith.constant 0 : i32
    %dma_start3A_198 = arith.constant 0 : i32
    %dma_start3A_199 = tpu.memref_slice %arg5[%dma_start3A_197, %dma_start3A_198] : memref<1000x64xf32, #tpu.memory_space<vmem_shared>> -> memref<1000x64xf32, #tpu.memory_space<vmem_shared>>
    tpu.enqueue_indirect_dma source(%dma_start3A_199 : memref<1000x64xf32, #tpu.memory_space<vmem_shared>>) target(%dma_start3A_187 : memref<128x64xf32, #tpu.memory_space<vmem>>) offsets(%dma_start3A_196 : memref<128xi32, #tpu.memory_space<vmem>>) semaphore(%arg8 : memref<!tpu.dma_semaphore, #tpu.memory_space<semaphore_mem>>)
    %dma_start3A_200 = arith.constant 0 : i32
    %dma_start3A_201 = arith.constant 3 : i32
    %dma_start3A_202 = arith.constant 0 : i32
    %dma_start3A_203 = arith.constant 3 : i32
    %dma_start3A_204 = arith.constant 0 : i32
    %dma_start3A_205 = arith.constant 0 : i32
    %dma_start3A_206 = arith.constant 0 : i32
    %dma_start3A_207 = tpu.memref_slice %arg7[%dma_start3A_202, %dma_start3A_204, %dma_start3A_205, %dma_start3A_206] : memref<2x4x200x64xf32, #tpu.memory_space<vmem>> -> memref<1x4x200x64xf32, #tpu.memory_space<vmem>>
    %dma_start3A_208 = tpu.memref_squeeze %dma_start3A_207 : memref<1x4x200x64xf32, #tpu.memory_space<vmem>> -> memref<4x200x64xf32, #tpu.memory_space<vmem>>
    %dma_start3A_209 = arith.constant 0 : i32
    %dma_start3A_210 = arith.constant 0 : i32
    %dma_start3A_211 = tpu.memref_slice %dma_start3A_208[%dma_start3A_203, %dma_start3A_209, %dma_start3A_210] : memref<4x200x64xf32, #tpu.memory_space<vmem>> -> memref<1x200x64xf32, #tpu.memory_space<vmem>>
    %dma_start3A_212 = tpu.memref_squeeze %dma_start3A_211 : memref<1x200x64xf32, #tpu.memory_space<vmem>> -> memref<200x64xf32, #tpu.memory_space<vmem>>
    %dma_start3A_213 = arith.constant 128 : i32
    %dma_start3A_214 = arith.constant 0 : i32
    %dma_start3A_215 = tpu.memref_slice %dma_start3A_212[%dma_start3A_213, %dma_start3A_214] : memref<200x64xf32, #tpu.memory_space<vmem>> -> memref<72x64xf32, #tpu.memory_space<vmem>>
    %dma_start3A_216 = arith.constant 0 : i32
    %dma_start3A_217 = arith.constant 0 : i32
    %dma_start3A_218 = tpu.memref_slice %arg6[%dma_start3A_200, %dma_start3A_216, %dma_start3A_217] : memref<2x4x200xi32, #tpu.memory_space<vmem>> -> memref<1x4x200xi32, #tpu.memory_space<vmem>>
    %dma_start3A_219 = tpu.memref_squeeze %dma_start3A_218 : memref<1x4x200xi32, #tpu.memory_space<vmem>> -> memref<4x200xi32, #tpu.memory_space<vmem>>
    %dma_start3A_220 = arith.constant 0 : i32
    %dma_start3A_221 = tpu.memref_slice %dma_start3A_219[%dma_start3A_201, %dma_start3A_220] : memref<4x200xi32, #tpu.memory_space<vmem>> -> memref<1x200xi32, #tpu.memory_space<vmem>>
    %dma_start3A_222 = tpu.memref_squeeze %dma_start3A_221 : memref<1x200xi32, #tpu.memory_space<vmem>> -> memref<200xi32, #tpu.memory_space<vmem>>
    %dma_start3A_223 = arith.constant 128 : i32
    %dma_start3A_224 = tpu.memref_slice %dma_start3A_222[%dma_start3A_223] : memref<200xi32, #tpu.memory_space<vmem>> -> memref<72xi32, #tpu.memory_space<vmem>>
    %dma_start3A_225 = arith.constant 0 : i32
    %dma_start3A_226 = arith.constant 0 : i32
    %dma_start3A_227 = tpu.memref_slice %arg5[%dma_start3A_225, %dma_start3A_226] : memref<1000x64xf32, #tpu.memory_space<vmem_shared>> -> memref<1000x64xf32, #tpu.memory_space<vmem_shared>>
    tpu.enqueue_indirect_dma source(%dma_start3A_227 : memref<1000x64xf32, #tpu.memory_space<vmem_shared>>) target(%dma_start3A_215 : memref<72x64xf32, #tpu.memory_space<vmem>>) offsets(%dma_start3A_224 : memref<72xi32, #tpu.memory_space<vmem>>) semaphore(%arg8 : memref<!tpu.dma_semaphore, #tpu.memory_space<semaphore_mem>>)
    %scan3A = arith.constant 0 : i32
    %scan3A_228 = arith.constant 0 : i32
    %scan3A_229 = arith.constant 64 : i32
    %scan3A_230 = arith.addi %scan3A_228, %scan3A_229 : i32
    %scan3A_231 = arith.constant 1 : i32
    scf.for %scan3A_251 = %scan3A_228 to %scan3A_230 step %scan3A_231  : i32 {
      %mul3A_252 = arith.constant 2 : i32
      %mul3A_253 = arith.muli %scan3A_251, %mul3A_252 : i32
      %add3A_254 = arith.constant 0 : i32
      %add3A_255 = arith.addi %mul3A_253, %add3A_254 : i32
      %dma_wait3A_256 = arith.constant 0 : i32
      %dma_wait3A_257 = arith.constant 0 : i32
      %dma_wait3A_258 = arith.constant 0 : i32
      %dma_wait3A_259 = arith.constant 0 : i32
      %dma_wait3A_260 = arith.constant 0 : i32
      %dma_wait3A_261 = arith.constant 0 : i32
      %dma_wait3A_262 = arith.constant 0 : i32
      %dma_wait3A_263 = tpu.memref_slice %arg7[%dma_wait3A_258, %dma_wait3A_260, %dma_wait3A_261, %dma_wait3A_262] : memref<2x4x200x64xf32, #tpu.memory_space<vmem>> -> memref<1x4x200x64xf32, #tpu.memory_space<vmem>>
      %dma_wait3A_264 = tpu.memref_squeeze %dma_wait3A_263 : memref<1x4x200x64xf32, #tpu.memory_space<vmem>> -> memref<4x200x64xf32, #tpu.memory_space<vmem>>
      %dma_wait3A_265 = arith.constant 0 : i32
      %dma_wait3A_266 = arith.constant 0 : i32
      %dma_wait3A_267 = tpu.memref_slice %dma_wait3A_264[%dma_wait3A_259, %dma_wait3A_265, %dma_wait3A_266] : memref<4x200x64xf32, #tpu.memory_space<vmem>> -> memref<1x200x64xf32, #tpu.memory_space<vmem>>
      %dma_wait3A_268 = tpu.memref_squeeze %dma_wait3A_267 : memref<1x200x64xf32, #tpu.memory_space<vmem>> -> memref<200x64xf32, #tpu.memory_space<vmem>>
      %dma_wait3A_269 = arith.constant 0 : i32
      %dma_wait3A_270 = arith.constant 0 : i32
      %dma_wait3A_271 = tpu.memref_slice %dma_wait3A_268[%dma_wait3A_269, %dma_wait3A_270] : memref<200x64xf32, #tpu.memory_space<vmem>> -> memref<128x64xf32, #tpu.memory_space<vmem>>
      %dma_wait3A_272 = arith.constant 0 : i32
      %dma_wait3A_273 = arith.constant 0 : i32
      %dma_wait3A_274 = tpu.memref_slice %arg6[%dma_wait3A_256, %dma_wait3A_272, %dma_wait3A_273] : memref<2x4x200xi32, #tpu.memory_space<vmem>> -> memref<1x4x200xi32, #tpu.memory_space<vmem>>
      %dma_wait3A_275 = tpu.memref_squeeze %dma_wait3A_274 : memref<1x4x200xi32, #tpu.memory_space<vmem>> -> memref<4x200xi32, #tpu.memory_space<vmem>>
      %dma_wait3A_276 = arith.constant 0 : i32
      %dma_wait3A_277 = tpu.memref_slice %dma_wait3A_275[%dma_wait3A_257, %dma_wait3A_276] : memref<4x200xi32, #tpu.memory_space<vmem>> -> memref<1x200xi32, #tpu.memory_space<vmem>>
      %dma_wait3A_278 = tpu.memref_squeeze %dma_wait3A_277 : memref<1x200xi32, #tpu.memory_space<vmem>> -> memref<200xi32, #tpu.memory_space<vmem>>
      %dma_wait3A_279 = arith.constant 0 : i32
      %dma_wait3A_280 = tpu.memref_slice %dma_wait3A_278[%dma_wait3A_279] : memref<200xi32, #tpu.memory_space<vmem>> -> memref<128xi32, #tpu.memory_space<vmem>>
      %dma_wait3A_281 = arith.constant 0 : i32
      %dma_wait3A_282 = arith.constant 0 : i32
      %dma_wait3A_283 = tpu.memref_slice %arg5[%dma_wait3A_281, %dma_wait3A_282] : memref<1000x64xf32, #tpu.memory_space<vmem_shared>> -> memref<1000x64xf32, #tpu.memory_space<vmem_shared>>
      tpu.wait_indirect_dma semaphore(%arg8 : memref<!tpu.dma_semaphore, #tpu.memory_space<semaphore_mem>>) src(%dma_wait3A_283 : memref<1000x64xf32, #tpu.memory_space<vmem_shared>>) dst(%dma_wait3A_271 : memref<128x64xf32, #tpu.memory_space<vmem>>)
      %dma_wait3A_284 = arith.constant 0 : i32
      %dma_wait3A_285 = arith.constant 0 : i32
      %dma_wait3A_286 = arith.constant 0 : i32
      %dma_wait3A_287 = arith.constant 0 : i32
      %dma_wait3A_288 = arith.constant 0 : i32
      %dma_wait3A_289 = arith.constant 0 : i32
      %dma_wait3A_290 = arith.constant 0 : i32
      %dma_wait3A_291 = tpu.memref_slice %arg7[%dma_wait3A_286, %dma_wait3A_288, %dma_wait3A_289, %dma_wait3A_290] : memref<2x4x200x64xf32, #tpu.memory_space<vmem>> -> memref<1x4x200x64xf32, #tpu.memory_space<vmem>>
      %dma_wait3A_292 = tpu.memref_squeeze %dma_wait3A_291 : memref<1x4x200x64xf32, #tpu.memory_space<vmem>> -> memref<4x200x64xf32, #tpu.memory_space<vmem>>
      %dma_wait3A_293 = arith.constant 0 : i32
      %dma_wait3A_294 = arith.constant 0 : i32
      %dma_wait3A_295 = tpu.memref_slice %dma_wait3A_292[%dma_wait3A_287, %dma_wait3A_293, %dma_wait3A_294] : memref<4x200x64xf32, #tpu.memory_space<vmem>> -> memref<1x200x64xf32, #tpu.memory_space<vmem>>
      %dma_wait3A_296 = tpu.memref_squeeze %dma_wait3A_295 : memref<1x200x64xf32, #tpu.memory_space<vmem>> -> memref<200x64xf32, #tpu.memory_space<vmem>>
      %dma_wait3A_297 = arith.constant 128 : i32
      %dma_wait3A_298 = arith.constant 0 : i32
      %dma_wait3A_299 = tpu.memref_slice %dma_wait3A_296[%dma_wait3A_297, %dma_wait3A_298] : memref<200x64xf32, #tpu.memory_space<vmem>> -> memref<72x64xf32, #tpu.memory_space<vmem>>
      %dma_wait3A_300 = arith.constant 0 : i32
      %dma_wait3A_301 = arith.constant 0 : i32
      %dma_wait3A_302 = tpu.memref_slice %arg6[%dma_wait3A_284, %dma_wait3A_300, %dma_wait3A_301] : memref<2x4x200xi32, #tpu.memory_space<vmem>> -> memref<1x4x200xi32, #tpu.memory_space<vmem>>
      %dma_wait3A_303 = tpu.memref_squeeze %dma_wait3A_302 : memref<1x4x200xi32, #tpu.memory_space<vmem>> -> memref<4x200xi32, #tpu.memory_space<vmem>>
      %dma_wait3A_304 = arith.constant 0 : i32
      %dma_wait3A_305 = tpu.memref_slice %dma_wait3A_303[%dma_wait3A_285, %dma_wait3A_304] : memref<4x200xi32, #tpu.memory_space<vmem>> -> memref<1x200xi32, #tpu.memory_space<vmem>>
      %dma_wait3A_306 = tpu.memref_squeeze %dma_wait3A_305 : memref<1x200xi32, #tpu.memory_space<vmem>> -> memref<200xi32, #tpu.memory_space<vmem>>
      %dma_wait3A_307 = arith.constant 128 : i32
      %dma_wait3A_308 = tpu.memref_slice %dma_wait3A_306[%dma_wait3A_307] : memref<200xi32, #tpu.memory_space<vmem>> -> memref<72xi32, #tpu.memory_space<vmem>>
      %dma_wait3A_309 = arith.constant 0 : i32
      %dma_wait3A_310 = arith.constant 0 : i32
      %dma_wait3A_311 = tpu.memref_slice %arg5[%dma_wait3A_309, %dma_wait3A_310] : memref<1000x64xf32, #tpu.memory_space<vmem_shared>> -> memref<1000x64xf32, #tpu.memory_space<vmem_shared>>
      tpu.wait_indirect_dma semaphore(%arg8 : memref<!tpu.dma_semaphore, #tpu.memory_space<semaphore_mem>>) src(%dma_wait3A_311 : memref<1000x64xf32, #tpu.memory_space<vmem_shared>>) dst(%dma_wait3A_299 : memref<72x64xf32, #tpu.memory_space<vmem>>)
      %dma_wait3A_312 = arith.constant 0 : i32
      %dma_wait3A_313 = arith.constant 1 : i32
      %dma_wait3A_314 = arith.constant 0 : i32
      %dma_wait3A_315 = arith.constant 1 : i32
      %dma_wait3A_316 = arith.constant 0 : i32
      %dma_wait3A_317 = arith.constant 0 : i32
      %dma_wait3A_318 = arith.constant 0 : i32
      %dma_wait3A_319 = tpu.memref_slice %arg7[%dma_wait3A_314, %dma_wait3A_316, %dma_wait3A_317, %dma_wait3A_318] : memref<2x4x200x64xf32, #tpu.memory_space<vmem>> -> memref<1x4x200x64xf32, #tpu.memory_space<vmem>>
      %dma_wait3A_320 = tpu.memref_squeeze %dma_wait3A_319 : memref<1x4x200x64xf32, #tpu.memory_space<vmem>> -> memref<4x200x64xf32, #tpu.memory_space<vmem>>
      %dma_wait3A_321 = arith.constant 0 : i32
      %dma_wait3A_322 = arith.constant 0 : i32
      %dma_wait3A_323 = tpu.memref_slice %dma_wait3A_320[%dma_wait3A_315, %dma_wait3A_321, %dma_wait3A_322] : memref<4x200x64xf32, #tpu.memory_space<vmem>> -> memref<1x200x64xf32, #tpu.memory_space<vmem>>
      %dma_wait3A_324 = tpu.memref_squeeze %dma_wait3A_323 : memref<1x200x64xf32, #tpu.memory_space<vmem>> -> memref<200x64xf32, #tpu.memory_space<vmem>>
      %dma_wait3A_325 = arith.constant 0 : i32
      %dma_wait3A_326 = arith.constant 0 : i32
      %dma_wait3A_327 = tpu.memref_slice %dma_wait3A_324[%dma_wait3A_325, %dma_wait3A_326] : memref<200x64xf32, #tpu.memory_space<vmem>> -> memref<128x64xf32, #tpu.memory_space<vmem>>
      %dma_wait3A_328 = arith.constant 0 : i32
      %dma_wait3A_329 = arith.constant 0 : i32
      %dma_wait3A_330 = tpu.memref_slice %arg6[%dma_wait3A_312, %dma_wait3A_328, %dma_wait3A_329] : memref<2x4x200xi32, #tpu.memory_space<vmem>> -> memref<1x4x200xi32, #tpu.memory_space<vmem>>
      %dma_wait3A_331 = tpu.memref_squeeze %dma_wait3A_330 : memref<1x4x200xi32, #tpu.memory_space<vmem>> -> memref<4x200xi32, #tpu.memory_space<vmem>>
      %dma_wait3A_332 = arith.constant 0 : i32
      %dma_wait3A_333 = tpu.memref_slice %dma_wait3A_331[%dma_wait3A_313, %dma_wait3A_332] : memref<4x200xi32, #tpu.memory_space<vmem>> -> memref<1x200xi32, #tpu.memory_space<vmem>>
      %dma_wait3A_334 = tpu.memref_squeeze %dma_wait3A_333 : memref<1x200xi32, #tpu.memory_space<vmem>> -> memref<200xi32, #tpu.memory_space<vmem>>
      %dma_wait3A_335 = arith.constant 0 : i32
      %dma_wait3A_336 = tpu.memref_slice %dma_wait3A_334[%dma_wait3A_335] : memref<200xi32, #tpu.memory_space<vmem>> -> memref<128xi32, #tpu.memory_space<vmem>>
      %dma_wait3A_337 = arith.constant 0 : i32
      %dma_wait3A_338 = arith.constant 0 : i32
      %dma_wait3A_339 = tpu.memref_slice %arg5[%dma_wait3A_337, %dma_wait3A_338] : memref<1000x64xf32, #tpu.memory_space<vmem_shared>> -> memref<1000x64xf32, #tpu.memory_space<vmem_shared>>
      tpu.wait_indirect_dma semaphore(%arg8 : memref<!tpu.dma_semaphore, #tpu.memory_space<semaphore_mem>>) src(%dma_wait3A_339 : memref<1000x64xf32, #tpu.memory_space<vmem_shared>>) dst(%dma_wait3A_327 : memref<128x64xf32, #tpu.memory_space<vmem>>)
      %dma_wait3A_340 = arith.constant 0 : i32
      %dma_wait3A_341 = arith.constant 1 : i32
      %dma_wait3A_342 = arith.constant 0 : i32
      %dma_wait3A_343 = arith.constant 1 : i32
      %dma_wait3A_344 = arith.constant 0 : i32
      %dma_wait3A_345 = arith.constant 0 : i32
      %dma_wait3A_346 = arith.constant 0 : i32
      %dma_wait3A_347 = tpu.memref_slice %arg7[%dma_wait3A_342, %dma_wait3A_344, %dma_wait3A_345, %dma_wait3A_346] : memref<2x4x200x64xf32, #tpu.memory_space<vmem>> -> memref<1x4x200x64xf32, #tpu.memory_space<vmem>>
      %dma_wait3A_348 = tpu.memref_squeeze %dma_wait3A_347 : memref<1x4x200x64xf32, #tpu.memory_space<vmem>> -> memref<4x200x64xf32, #tpu.memory_space<vmem>>
      %dma_wait3A_349 = arith.constant 0 : i32
      %dma_wait3A_350 = arith.constant 0 : i32
      %dma_wait3A_351 = tpu.memref_slice %dma_wait3A_348[%dma_wait3A_343, %dma_wait3A_349, %dma_wait3A_350] : memref<4x200x64xf32, #tpu.memory_space<vmem>> -> memref<1x200x64xf32, #tpu.memory_space<vmem>>
      %dma_wait3A_352 = tpu.memref_squeeze %dma_wait3A_351 : memref<1x200x64xf32, #tpu.memory_space<vmem>> -> memref<200x64xf32, #tpu.memory_space<vmem>>
      %dma_wait3A_353 = arith.constant 128 : i32
      %dma_wait3A_354 = arith.constant 0 : i32
      %dma_wait3A_355 = tpu.memref_slice %dma_wait3A_352[%dma_wait3A_353, %dma_wait3A_354] : memref<200x64xf32, #tpu.memory_space<vmem>> -> memref<72x64xf32, #tpu.memory_space<vmem>>
      %dma_wait3A_356 = arith.constant 0 : i32
      %dma_wait3A_357 = arith.constant 0 : i32
      %dma_wait3A_358 = tpu.memref_slice %arg6[%dma_wait3A_340, %dma_wait3A_356, %dma_wait3A_357] : memref<2x4x200xi32, #tpu.memory_space<vmem>> -> memref<1x4x200xi32, #tpu.memory_space<vmem>>
      %dma_wait3A_359 = tpu.memref_squeeze %dma_wait3A_358 : memref<1x4x200xi32, #tpu.memory_space<vmem>> -> memref<4x200xi32, #tpu.memory_space<vmem>>
      %dma_wait3A_360 = arith.constant 0 : i32
      %dma_wait3A_361 = tpu.memref_slice %dma_wait3A_359[%dma_wait3A_341, %dma_wait3A_360] : memref<4x200xi32, #tpu.memory_space<vmem>> -> memref<1x200xi32, #tpu.memory_space<vmem>>
      %dma_wait3A_362 = tpu.memref_squeeze %dma_wait3A_361 : memref<1x200xi32, #tpu.memory_space<vmem>> -> memref<200xi32, #tpu.memory_space<vmem>>
      %dma_wait3A_363 = arith.constant 128 : i32
      %dma_wait3A_364 = tpu.memref_slice %dma_wait3A_362[%dma_wait3A_363] : memref<200xi32, #tpu.memory_space<vmem>> -> memref<72xi32, #tpu.memory_space<vmem>>
      %dma_wait3A_365 = arith.constant 0 : i32
      %dma_wait3A_366 = arith.constant 0 : i32
      %dma_wait3A_367 = tpu.memref_slice %arg5[%dma_wait3A_365, %dma_wait3A_366] : memref<1000x64xf32, #tpu.memory_space<vmem_shared>> -> memref<1000x64xf32, #tpu.memory_space<vmem_shared>>
      tpu.wait_indirect_dma semaphore(%arg8 : memref<!tpu.dma_semaphore, #tpu.memory_space<semaphore_mem>>) src(%dma_wait3A_367 : memref<1000x64xf32, #tpu.memory_space<vmem_shared>>) dst(%dma_wait3A_355 : memref<72x64xf32, #tpu.memory_space<vmem>>)
      %dma_wait3A_368 = arith.constant 0 : i32
      %dma_wait3A_369 = arith.constant 2 : i32
      %dma_wait3A_370 = arith.constant 0 : i32
      %dma_wait3A_371 = arith.constant 2 : i32
      %dma_wait3A_372 = arith.constant 0 : i32
      %dma_wait3A_373 = arith.constant 0 : i32
      %dma_wait3A_374 = arith.constant 0 : i32
      %dma_wait3A_375 = tpu.memref_slice %arg7[%dma_wait3A_370, %dma_wait3A_372, %dma_wait3A_373, %dma_wait3A_374] : memref<2x4x200x64xf32, #tpu.memory_space<vmem>> -> memref<1x4x200x64xf32, #tpu.memory_space<vmem>>
      %dma_wait3A_376 = tpu.memref_squeeze %dma_wait3A_375 : memref<1x4x200x64xf32, #tpu.memory_space<vmem>> -> memref<4x200x64xf32, #tpu.memory_space<vmem>>
      %dma_wait3A_377 = arith.constant 0 : i32
      %dma_wait3A_378 = arith.constant 0 : i32
      %dma_wait3A_379 = tpu.memref_slice %dma_wait3A_376[%dma_wait3A_371, %dma_wait3A_377, %dma_wait3A_378] : memref<4x200x64xf32, #tpu.memory_space<vmem>> -> memref<1x200x64xf32, #tpu.memory_space<vmem>>
      %dma_wait3A_380 = tpu.memref_squeeze %dma_wait3A_379 : memref<1x200x64xf32, #tpu.memory_space<vmem>> -> memref<200x64xf32, #tpu.memory_space<vmem>>
      %dma_wait3A_381 = arith.constant 0 : i32
      %dma_wait3A_382 = arith.constant 0 : i32
      %dma_wait3A_383 = tpu.memref_slice %dma_wait3A_380[%dma_wait3A_381, %dma_wait3A_382] : memref<200x64xf32, #tpu.memory_space<vmem>> -> memref<128x64xf32, #tpu.memory_space<vmem>>
      %dma_wait3A_384 = arith.constant 0 : i32
      %dma_wait3A_385 = arith.constant 0 : i32
      %dma_wait3A_386 = tpu.memref_slice %arg6[%dma_wait3A_368, %dma_wait3A_384, %dma_wait3A_385] : memref<2x4x200xi32, #tpu.memory_space<vmem>> -> memref<1x4x200xi32, #tpu.memory_space<vmem>>
      %dma_wait3A_387 = tpu.memref_squeeze %dma_wait3A_386 : memref<1x4x200xi32, #tpu.memory_space<vmem>> -> memref<4x200xi32, #tpu.memory_space<vmem>>
      %dma_wait3A_388 = arith.constant 0 : i32
      %dma_wait3A_389 = tpu.memref_slice %dma_wait3A_387[%dma_wait3A_369, %dma_wait3A_388] : memref<4x200xi32, #tpu.memory_space<vmem>> -> memref<1x200xi32, #tpu.memory_space<vmem>>
      %dma_wait3A_390 = tpu.memref_squeeze %dma_wait3A_389 : memref<1x200xi32, #tpu.memory_space<vmem>> -> memref<200xi32, #tpu.memory_space<vmem>>
      %dma_wait3A_391 = arith.constant 0 : i32
      %dma_wait3A_392 = tpu.memref_slice %dma_wait3A_390[%dma_wait3A_391] : memref<200xi32, #tpu.memory_space<vmem>> -> memref<128xi32, #tpu.memory_space<vmem>>
      %dma_wait3A_393 = arith.constant 0 : i32
      %dma_wait3A_394 = arith.constant 0 : i32
      %dma_wait3A_395 = tpu.memref_slice %arg5[%dma_wait3A_393, %dma_wait3A_394] : memref<1000x64xf32, #tpu.memory_space<vmem_shared>> -> memref<1000x64xf32, #tpu.memory_space<vmem_shared>>
      tpu.wait_indirect_dma semaphore(%arg8 : memref<!tpu.dma_semaphore, #tpu.memory_space<semaphore_mem>>) src(%dma_wait3A_395 : memref<1000x64xf32, #tpu.memory_space<vmem_shared>>) dst(%dma_wait3A_383 : memref<128x64xf32, #tpu.memory_space<vmem>>)
      %dma_wait3A_396 = arith.constant 0 : i32
      %dma_wait3A_397 = arith.constant 2 : i32
      %dma_wait3A_398 = arith.constant 0 : i32
      %dma_wait3A_399 = arith.constant 2 : i32
      %dma_wait3A_400 = arith.constant 0 : i32
      %dma_wait3A_401 = arith.constant 0 : i32
      %dma_wait3A_402 = arith.constant 0 : i32
      %dma_wait3A_403 = tpu.memref_slice %arg7[%dma_wait3A_398, %dma_wait3A_400, %dma_wait3A_401, %dma_wait3A_402] : memref<2x4x200x64xf32, #tpu.memory_space<vmem>> -> memref<1x4x200x64xf32, #tpu.memory_space<vmem>>
      %dma_wait3A_404 = tpu.memref_squeeze %dma_wait3A_403 : memref<1x4x200x64xf32, #tpu.memory_space<vmem>> -> memref<4x200x64xf32, #tpu.memory_space<vmem>>
      %dma_wait3A_405 = arith.constant 0 : i32
      %dma_wait3A_406 = arith.constant 0 : i32
      %dma_wait3A_407 = tpu.memref_slice %dma_wait3A_404[%dma_wait3A_399, %dma_wait3A_405, %dma_wait3A_406] : memref<4x200x64xf32, #tpu.memory_space<vmem>> -> memref<1x200x64xf32, #tpu.memory_space<vmem>>
      %dma_wait3A_408 = tpu.memref_squeeze %dma_wait3A_407 : memref<1x200x64xf32, #tpu.memory_space<vmem>> -> memref<200x64xf32, #tpu.memory_space<vmem>>
      %dma_wait3A_409 = arith.constant 128 : i32
      %dma_wait3A_410 = arith.constant 0 : i32
      %dma_wait3A_411 = tpu.memref_slice %dma_wait3A_408[%dma_wait3A_409, %dma_wait3A_410] : memref<200x64xf32, #tpu.memory_space<vmem>> -> memref<72x64xf32, #tpu.memory_space<vmem>>
      %dma_wait3A_412 = arith.constant 0 : i32
      %dma_wait3A_413 = arith.constant 0 : i32
      %dma_wait3A_414 = tpu.memref_slice %arg6[%dma_wait3A_396, %dma_wait3A_412, %dma_wait3A_413] : memref<2x4x200xi32, #tpu.memory_space<vmem>> -> memref<1x4x200xi32, #tpu.memory_space<vmem>>
      %dma_wait3A_415 = tpu.memref_squeeze %dma_wait3A_414 : memref<1x4x200xi32, #tpu.memory_space<vmem>> -> memref<4x200xi32, #tpu.memory_space<vmem>>
      %dma_wait3A_416 = arith.constant 0 : i32
      %dma_wait3A_417 = tpu.memref_slice %dma_wait3A_415[%dma_wait3A_397, %dma_wait3A_416] : memref<4x200xi32, #tpu.memory_space<vmem>> -> memref<1x200xi32, #tpu.memory_space<vmem>>
      %dma_wait3A_418 = tpu.memref_squeeze %dma_wait3A_417 : memref<1x200xi32, #tpu.memory_space<vmem>> -> memref<200xi32, #tpu.memory_space<vmem>>
      %dma_wait3A_419 = arith.constant 128 : i32
      %dma_wait3A_420 = tpu.memref_slice %dma_wait3A_418[%dma_wait3A_419] : memref<200xi32, #tpu.memory_space<vmem>> -> memref<72xi32, #tpu.memory_space<vmem>>
      %dma_wait3A_421 = arith.constant 0 : i32
      %dma_wait3A_422 = arith.constant 0 : i32
      %dma_wait3A_423 = tpu.memref_slice %arg5[%dma_wait3A_421, %dma_wait3A_422] : memref<1000x64xf32, #tpu.memory_space<vmem_shared>> -> memref<1000x64xf32, #tpu.memory_space<vmem_shared>>
      tpu.wait_indirect_dma semaphore(%arg8 : memref<!tpu.dma_semaphore, #tpu.memory_space<semaphore_mem>>) src(%dma_wait3A_423 : memref<1000x64xf32, #tpu.memory_space<vmem_shared>>) dst(%dma_wait3A_411 : memref<72x64xf32, #tpu.memory_space<vmem>>)
      %dma_wait3A_424 = arith.constant 0 : i32
      %dma_wait3A_425 = arith.constant 3 : i32
      %dma_wait3A_426 = arith.constant 0 : i32
      %dma_wait3A_427 = arith.constant 3 : i32
      %dma_wait3A_428 = arith.constant 0 : i32
      %dma_wait3A_429 = arith.constant 0 : i32
      %dma_wait3A_430 = arith.constant 0 : i32
      %dma_wait3A_431 = tpu.memref_slice %arg7[%dma_wait3A_426, %dma_wait3A_428, %dma_wait3A_429, %dma_wait3A_430] : memref<2x4x200x64xf32, #tpu.memory_space<vmem>> -> memref<1x4x200x64xf32, #tpu.memory_space<vmem>>
      %dma_wait3A_432 = tpu.memref_squeeze %dma_wait3A_431 : memref<1x4x200x64xf32, #tpu.memory_space<vmem>> -> memref<4x200x64xf32, #tpu.memory_space<vmem>>
      %dma_wait3A_433 = arith.constant 0 : i32
      %dma_wait3A_434 = arith.constant 0 : i32
      %dma_wait3A_435 = tpu.memref_slice %dma_wait3A_432[%dma_wait3A_427, %dma_wait3A_433, %dma_wait3A_434] : memref<4x200x64xf32, #tpu.memory_space<vmem>> -> memref<1x200x64xf32, #tpu.memory_space<vmem>>
      %dma_wait3A_436 = tpu.memref_squeeze %dma_wait3A_435 : memref<1x200x64xf32, #tpu.memory_space<vmem>> -> memref<200x64xf32, #tpu.memory_space<vmem>>
      %dma_wait3A_437 = arith.constant 0 : i32
      %dma_wait3A_438 = arith.constant 0 : i32
      %dma_wait3A_439 = tpu.memref_slice %dma_wait3A_436[%dma_wait3A_437, %dma_wait3A_438] : memref<200x64xf32, #tpu.memory_space<vmem>> -> memref<128x64xf32, #tpu.memory_space<vmem>>
      %dma_wait3A_440 = arith.constant 0 : i32
      %dma_wait3A_441 = arith.constant 0 : i32
      %dma_wait3A_442 = tpu.memref_slice %arg6[%dma_wait3A_424, %dma_wait3A_440, %dma_wait3A_441] : memref<2x4x200xi32, #tpu.memory_space<vmem>> -> memref<1x4x200xi32, #tpu.memory_space<vmem>>
      %dma_wait3A_443 = tpu.memref_squeeze %dma_wait3A_442 : memref<1x4x200xi32, #tpu.memory_space<vmem>> -> memref<4x200xi32, #tpu.memory_space<vmem>>
      %dma_wait3A_444 = arith.constant 0 : i32
      %dma_wait3A_445 = tpu.memref_slice %dma_wait3A_443[%dma_wait3A_425, %dma_wait3A_444] : memref<4x200xi32, #tpu.memory_space<vmem>> -> memref<1x200xi32, #tpu.memory_space<vmem>>
      %dma_wait3A_446 = tpu.memref_squeeze %dma_wait3A_445 : memref<1x200xi32, #tpu.memory_space<vmem>> -> memref<200xi32, #tpu.memory_space<vmem>>
      %dma_wait3A_447 = arith.constant 0 : i32
      %dma_wait3A_448 = tpu.memref_slice %dma_wait3A_446[%dma_wait3A_447] : memref<200xi32, #tpu.memory_space<vmem>> -> memref<128xi32, #tpu.memory_space<vmem>>
      %dma_wait3A_449 = arith.constant 0 : i32
      %dma_wait3A_450 = arith.constant 0 : i32
      %dma_wait3A_451 = tpu.memref_slice %arg5[%dma_wait3A_449, %dma_wait3A_450] : memref<1000x64xf32, #tpu.memory_space<vmem_shared>> -> memref<1000x64xf32, #tpu.memory_space<vmem_shared>>
      tpu.wait_indirect_dma semaphore(%arg8 : memref<!tpu.dma_semaphore, #tpu.memory_space<semaphore_mem>>) src(%dma_wait3A_451 : memref<1000x64xf32, #tpu.memory_space<vmem_shared>>) dst(%dma_wait3A_439 : memref<128x64xf32, #tpu.memory_space<vmem>>)
      %dma_wait3A_452 = arith.constant 0 : i32
      %dma_wait3A_453 = arith.constant 3 : i32
      %dma_wait3A_454 = arith.constant 0 : i32
      %dma_wait3A_455 = arith.constant 3 : i32
      %dma_wait3A_456 = arith.constant 0 : i32
      %dma_wait3A_457 = arith.constant 0 : i32
      %dma_wait3A_458 = arith.constant 0 : i32
      %dma_wait3A_459 = tpu.memref_slice %arg7[%dma_wait3A_454, %dma_wait3A_456, %dma_wait3A_457, %dma_wait3A_458] : memref<2x4x200x64xf32, #tpu.memory_space<vmem>> -> memref<1x4x200x64xf32, #tpu.memory_space<vmem>>
      %dma_wait3A_460 = tpu.memref_squeeze %dma_wait3A_459 : memref<1x4x200x64xf32, #tpu.memory_space<vmem>> -> memref<4x200x64xf32, #tpu.memory_space<vmem>>
      %dma_wait3A_461 = arith.constant 0 : i32
      %dma_wait3A_462 = arith.constant 0 : i32
      %dma_wait3A_463 = tpu.memref_slice %dma_wait3A_460[%dma_wait3A_455, %dma_wait3A_461, %dma_wait3A_462] : memref<4x200x64xf32, #tpu.memory_space<vmem>> -> memref<1x200x64xf32, #tpu.memory_space<vmem>>
      %dma_wait3A_464 = tpu.memref_squeeze %dma_wait3A_463 : memref<1x200x64xf32, #tpu.memory_space<vmem>> -> memref<200x64xf32, #tpu.memory_space<vmem>>
      %dma_wait3A_465 = arith.constant 128 : i32
      %dma_wait3A_466 = arith.constant 0 : i32
      %dma_wait3A_467 = tpu.memref_slice %dma_wait3A_464[%dma_wait3A_465, %dma_wait3A_466] : memref<200x64xf32, #tpu.memory_space<vmem>> -> memref<72x64xf32, #tpu.memory_space<vmem>>
      %dma_wait3A_468 = arith.constant 0 : i32
      %dma_wait3A_469 = arith.constant 0 : i32
      %dma_wait3A_470 = tpu.memref_slice %arg6[%dma_wait3A_452, %dma_wait3A_468, %dma_wait3A_469] : memref<2x4x200xi32, #tpu.memory_space<vmem>> -> memref<1x4x200xi32, #tpu.memory_space<vmem>>
      %dma_wait3A_471 = tpu.memref_squeeze %dma_wait3A_470 : memref<1x4x200xi32, #tpu.memory_space<vmem>> -> memref<4x200xi32, #tpu.memory_space<vmem>>
      %dma_wait3A_472 = arith.constant 0 : i32
      %dma_wait3A_473 = tpu.memref_slice %dma_wait3A_471[%dma_wait3A_453, %dma_wait3A_472] : memref<4x200xi32, #tpu.memory_space<vmem>> -> memref<1x200xi32, #tpu.memory_space<vmem>>
      %dma_wait3A_474 = tpu.memref_squeeze %dma_wait3A_473 : memref<1x200xi32, #tpu.memory_space<vmem>> -> memref<200xi32, #tpu.memory_space<vmem>>
      %dma_wait3A_475 = arith.constant 128 : i32
      %dma_wait3A_476 = tpu.memref_slice %dma_wait3A_474[%dma_wait3A_475] : memref<200xi32, #tpu.memory_space<vmem>> -> memref<72xi32, #tpu.memory_space<vmem>>
      %dma_wait3A_477 = arith.constant 0 : i32
      %dma_wait3A_478 = arith.constant 0 : i32
      %dma_wait3A_479 = tpu.memref_slice %arg5[%dma_wait3A_477, %dma_wait3A_478] : memref<1000x64xf32, #tpu.memory_space<vmem_shared>> -> memref<1000x64xf32, #tpu.memory_space<vmem_shared>>
      tpu.wait_indirect_dma semaphore(%arg8 : memref<!tpu.dma_semaphore, #tpu.memory_space<semaphore_mem>>) src(%dma_wait3A_479 : memref<1000x64xf32, #tpu.memory_space<vmem_shared>>) dst(%dma_wait3A_467 : memref<72x64xf32, #tpu.memory_space<vmem>>)
      %mul3A_480 = arith.constant 4 : i32
      %mul3A_481 = arith.muli %add3A_255, %mul3A_480 : i32
      %add3A_482 = arith.addi %mul3A_2, %mul3A_481 : i32
      %dma_start3A_483 = arith.constant 0 : i32
      %dma_start3A_484 = arith.constant 0 : i32
      %dma_start3A_485 = arith.constant 0 : i32
      %dma_start3A_486 = arith.constant 0 : i32
      %dma_start3A_487 = tpu.memref_slice %arg7[%dma_start3A_483, %dma_start3A_484, %dma_start3A_485, %dma_start3A_486] : memref<2x4x200x64xf32, #tpu.memory_space<vmem>> -> memref<1x4x200x64xf32, #tpu.memory_space<vmem>>
      %dma_start3A_488 = tpu.memref_squeeze %dma_start3A_487 : memref<1x4x200x64xf32, #tpu.memory_space<vmem>> -> memref<4x200x64xf32, #tpu.memory_space<vmem>>
      %dma_start3A_489 = arith.constant 0 : i32
      %dma_start3A_490 = arith.constant 0 : i32
      %dma_start3A_491 = tpu.memref_slice %arg4[%add3A_482, %dma_start3A_489, %dma_start3A_490] : memref<16384x200x64xf32, #tpu.memory_space<hbm>> -> memref<4x200x64xf32, #tpu.memory_space<hbm>>
      %dma_start3A_492 = arith.constant 0 : i32
      %dma_start3A_493 = arith.constant 0 : i32
      %dma_start3A_494 = tpu.memref_slice %arg4[%add3A_482, %dma_start3A_492, %dma_start3A_493] : memref<16384x200x64xf32, #tpu.memory_space<hbm>> -> memref<4x200x64xf32, #tpu.memory_space<hbm>>
      %dma_start3A_495 = arith.constant 0 : i32
      %dma_start3A_496 = arith.constant 0 : i32
      %dma_start3A_497 = arith.constant 0 : i32
      %dma_start3A_498 = tpu.memref_slice %arg7[%dma_start3A_483, %dma_start3A_495, %dma_start3A_496, %dma_start3A_497] : memref<2x4x200x64xf32, #tpu.memory_space<vmem>> -> memref<1x4x200x64xf32, #tpu.memory_space<vmem>>
      %dma_start3A_499 = tpu.memref_squeeze %dma_start3A_498 : memref<1x4x200x64xf32, #tpu.memory_space<vmem>> -> memref<4x200x64xf32, #tpu.memory_space<vmem>>
      tpu.enqueue_dma source(%dma_start3A_499 : memref<4x200x64xf32, #tpu.memory_space<vmem>>) target(%dma_start3A_494 : memref<4x200x64xf32, #tpu.memory_space<hbm>>) target_semaphore(%arg9 : memref<!tpu.dma_semaphore, #tpu.memory_space<semaphore_mem>>)
      %ge3A = arith.constant 1 : i32
      %ge3A_500 = arith.cmpi sge, %add3A_255, %ge3A : i32
      %convert_element_type3A = arith.extui %ge3A_500 : i1 to i32
      %cond3A = arith.constant 0 : i32
      %cond3A_501 = arith.cmpi ne, %convert_element_type3A, %cond3A : i32
      scf.if %cond3A_501 {
        %dma_wait3A_766 = arith.constant 1 : i32
        %dma_wait3A_767 = arith.constant 0 : i32
        %dma_wait3A_768 = arith.constant 0 : i32
        %dma_wait3A_769 = arith.constant 0 : i32
        %dma_wait3A_770 = tpu.memref_slice %arg7[%dma_wait3A_766, %dma_wait3A_767, %dma_wait3A_768, %dma_wait3A_769] : memref<2x4x200x64xf32, #tpu.memory_space<vmem>> -> memref<1x4x200x64xf32, #tpu.memory_space<vmem>>
        %dma_wait3A_771 = tpu.memref_squeeze %dma_wait3A_770 : memref<1x4x200x64xf32, #tpu.memory_space<vmem>> -> memref<4x200x64xf32, #tpu.memory_space<vmem>>
        %dma_wait3A_772 = arith.constant 0 : i32
        %dma_wait3A_773 = arith.constant 0 : i32
        %dma_wait3A_774 = arith.constant 0 : i32
        %dma_wait3A_775 = tpu.memref_slice %arg4[%dma_wait3A_772, %dma_wait3A_773, %dma_wait3A_774] : memref<16384x200x64xf32, #tpu.memory_space<hbm>> -> memref<4x200x64xf32, #tpu.memory_space<hbm>>
        %dma_wait3A_776 = arith.constant 0 : i32
        %dma_wait3A_777 = arith.constant 0 : i32
        %dma_wait3A_778 = arith.constant 0 : i32
        %dma_wait3A_779 = tpu.memref_slice %arg4[%dma_wait3A_776, %dma_wait3A_777, %dma_wait3A_778] : memref<16384x200x64xf32, #tpu.memory_space<hbm>> -> memref<4x200x64xf32, #tpu.memory_space<hbm>>
        %dma_wait3A_780 = arith.constant 0 : i32
        %dma_wait3A_781 = arith.constant 0 : i32
        %dma_wait3A_782 = arith.constant 0 : i32
        %dma_wait3A_783 = tpu.memref_slice %arg7[%dma_wait3A_766, %dma_wait3A_780, %dma_wait3A_781, %dma_wait3A_782] : memref<2x4x200x64xf32, #tpu.memory_space<vmem>> -> memref<1x4x200x64xf32, #tpu.memory_space<vmem>>
        %dma_wait3A_784 = tpu.memref_squeeze %dma_wait3A_783 : memref<1x4x200x64xf32, #tpu.memory_space<vmem>> -> memref<4x200x64xf32, #tpu.memory_space<vmem>>
        tpu.wait_dma2 semaphore(%arg9 : memref<!tpu.dma_semaphore, #tpu.memory_space<semaphore_mem>>) src(%dma_wait3A_784 : memref<4x200x64xf32, #tpu.memory_space<vmem>>) dst(%dma_wait3A_779 : memref<4x200x64xf32, #tpu.memory_space<hbm>>)
      } else {
      }
      %add3A_502 = arith.constant 1 : i32
      %add3A_503 = arith.addi %add3A_255, %add3A_502 : i32
      %lt3A = arith.constant 128 : i32
      %lt3A_504 = arith.cmpi slt, %add3A_503, %lt3A : i32
      %convert_element_type3A_505 = arith.extui %lt3A_504 : i1 to i32
      %cond3A_506 = arith.constant 0 : i32
      %cond3A_507 = arith.cmpi ne, %convert_element_type3A_505, %cond3A_506 : i32
      scf.if %cond3A_507 {
        %add3A_766 = arith.constant 1 : i32
        %add3A_767 = arith.addi %add3A_255, %add3A_766 : i32
        %mul3A_768 = arith.constant 4 : i32
        %mul3A_769 = arith.muli %add3A_767, %mul3A_768 : i32
        %add3A_770 = arith.addi %mul3A_2, %mul3A_769 : i32
        %run_scoped3A_771 = arith.constant 1 : i32
        "tpu.region"() ({
          %run_scoped3A_996 = tpu.sem_alloc : memref<!tpu.dma_semaphore, #tpu.memory_space<semaphore_mem>>
          %dma_start3A_997 = arith.constant 0 : i32
          %dma_start3A_998 = arith.constant 0 : i32
          %dma_start3A_999 = tpu.memref_slice %arg6[%run_scoped3A_771, %dma_start3A_997, %dma_start3A_998] : memref<2x4x200xi32, #tpu.memory_space<vmem>> -> memref<1x4x200xi32, #tpu.memory_space<vmem>>
          %dma_start3A_1000 = tpu.memref_squeeze %dma_start3A_999 : memref<1x4x200xi32, #tpu.memory_space<vmem>> -> memref<4x200xi32, #tpu.memory_space<vmem>>
          %dma_start3A_1001 = arith.constant 0 : i32
          %dma_start3A_1002 = tpu.memref_slice %arg2[%add3A_770, %dma_start3A_1001] : memref<16384x200xi32, #tpu.memory_space<hbm>> -> memref<4x200xi32, #tpu.memory_space<hbm>>
          %dma_start3A_1003 = arith.constant 0 : i32
          %dma_start3A_1004 = arith.constant 0 : i32
          %dma_start3A_1005 = tpu.memref_slice %arg6[%run_scoped3A_771, %dma_start3A_1003, %dma_start3A_1004] : memref<2x4x200xi32, #tpu.memory_space<vmem>> -> memref<1x4x200xi32, #tpu.memory_space<vmem>>
          %dma_start3A_1006 = tpu.memref_squeeze %dma_start3A_1005 : memref<1x4x200xi32, #tpu.memory_space<vmem>> -> memref<4x200xi32, #tpu.memory_space<vmem>>
          %dma_start3A_1007 = arith.constant 0 : i32
          %dma_start3A_1008 = tpu.memref_slice %arg2[%add3A_770, %dma_start3A_1007] : memref<16384x200xi32, #tpu.memory_space<hbm>> -> memref<4x200xi32, #tpu.memory_space<hbm>>
          tpu.enqueue_dma source(%dma_start3A_1008 : memref<4x200xi32, #tpu.memory_space<hbm>>) target(%dma_start3A_1006 : memref<4x200xi32, #tpu.memory_space<vmem>>) target_semaphore(%run_scoped3A_996 : memref<!tpu.dma_semaphore, #tpu.memory_space<semaphore_mem>>)
          %dma_wait3A_1009 = arith.constant 0 : i32
          %dma_wait3A_1010 = arith.constant 0 : i32
          %dma_wait3A_1011 = tpu.memref_slice %arg6[%run_scoped3A_771, %dma_wait3A_1009, %dma_wait3A_1010] : memref<2x4x200xi32, #tpu.memory_space<vmem>> -> memref<1x4x200xi32, #tpu.memory_space<vmem>>
          %dma_wait3A_1012 = tpu.memref_squeeze %dma_wait3A_1011 : memref<1x4x200xi32, #tpu.memory_space<vmem>> -> memref<4x200xi32, #tpu.memory_space<vmem>>
          %dma_wait3A_1013 = arith.constant 0 : i32
          %dma_wait3A_1014 = tpu.memref_slice %arg2[%add3A_770, %dma_wait3A_1013] : memref<16384x200xi32, #tpu.memory_space<hbm>> -> memref<4x200xi32, #tpu.memory_space<hbm>>
          %dma_wait3A_1015 = arith.constant 0 : i32
          %dma_wait3A_1016 = arith.constant 0 : i32
          %dma_wait3A_1017 = tpu.memref_slice %arg6[%run_scoped3A_771, %dma_wait3A_1015, %dma_wait3A_1016] : memref<2x4x200xi32, #tpu.memory_space<vmem>> -> memref<1x4x200xi32, #tpu.memory_space<vmem>>
          %dma_wait3A_1018 = tpu.memref_squeeze %dma_wait3A_1017 : memref<1x4x200xi32, #tpu.memory_space<vmem>> -> memref<4x200xi32, #tpu.memory_space<vmem>>
          %dma_wait3A_1019 = arith.constant 0 : i32
          %dma_wait3A_1020 = tpu.memref_slice %arg2[%add3A_770, %dma_wait3A_1019] : memref<16384x200xi32, #tpu.memory_space<hbm>> -> memref<4x200xi32, #tpu.memory_space<hbm>>
          tpu.wait_dma2 semaphore(%run_scoped3A_996 : memref<!tpu.dma_semaphore, #tpu.memory_space<semaphore_mem>>) src(%dma_wait3A_1020 : memref<4x200xi32, #tpu.memory_space<hbm>>) dst(%dma_wait3A_1018 : memref<4x200xi32, #tpu.memory_space<vmem>>)
          tpu.yield
        }) : () -> ()
        %dma_start3A_772 = arith.constant 1 : i32
        %dma_start3A_773 = arith.constant 0 : i32
        %dma_start3A_774 = arith.constant 1 : i32
        %dma_start3A_775 = arith.constant 0 : i32
        %dma_start3A_776 = arith.constant 0 : i32
        %dma_start3A_777 = arith.constant 0 : i32
        %dma_start3A_778 = arith.constant 0 : i32
        %dma_start3A_779 = tpu.memref_slice %arg7[%dma_start3A_774, %dma_start3A_776, %dma_start3A_777, %dma_start3A_778] : memref<2x4x200x64xf32, #tpu.memory_space<vmem>> -> memref<1x4x200x64xf32, #tpu.memory_space<vmem>>
        %dma_start3A_780 = tpu.memref_squeeze %dma_start3A_779 : memref<1x4x200x64xf32, #tpu.memory_space<vmem>> -> memref<4x200x64xf32, #tpu.memory_space<vmem>>
        %dma_start3A_781 = arith.constant 0 : i32
        %dma_start3A_782 = arith.constant 0 : i32
        %dma_start3A_783 = tpu.memref_slice %dma_start3A_780[%dma_start3A_775, %dma_start3A_781, %dma_start3A_782] : memref<4x200x64xf32, #tpu.memory_space<vmem>> -> memref<1x200x64xf32, #tpu.memory_space<vmem>>
        %dma_start3A_784 = tpu.memref_squeeze %dma_start3A_783 : memref<1x200x64xf32, #tpu.memory_space<vmem>> -> memref<200x64xf32, #tpu.memory_space<vmem>>
        %dma_start3A_785 = arith.constant 0 : i32
        %dma_start3A_786 = arith.constant 0 : i32
        %dma_start3A_787 = tpu.memref_slice %dma_start3A_784[%dma_start3A_785, %dma_start3A_786] : memref<200x64xf32, #tpu.memory_space<vmem>> -> memref<128x64xf32, #tpu.memory_space<vmem>>
        %dma_start3A_788 = arith.constant 0 : i32
        %dma_start3A_789 = arith.constant 0 : i32
        %dma_start3A_790 = tpu.memref_slice %arg6[%dma_start3A_772, %dma_start3A_788, %dma_start3A_789] : memref<2x4x200xi32, #tpu.memory_space<vmem>> -> memref<1x4x200xi32, #tpu.memory_space<vmem>>
        %dma_start3A_791 = tpu.memref_squeeze %dma_start3A_790 : memref<1x4x200xi32, #tpu.memory_space<vmem>> -> memref<4x200xi32, #tpu.memory_space<vmem>>
        %dma_start3A_792 = arith.constant 0 : i32
        %dma_start3A_793 = tpu.memref_slice %dma_start3A_791[%dma_start3A_773, %dma_start3A_792] : memref<4x200xi32, #tpu.memory_space<vmem>> -> memref<1x200xi32, #tpu.memory_space<vmem>>
        %dma_start3A_794 = tpu.memref_squeeze %dma_start3A_793 : memref<1x200xi32, #tpu.memory_space<vmem>> -> memref<200xi32, #tpu.memory_space<vmem>>
        %dma_start3A_795 = arith.constant 0 : i32
        %dma_start3A_796 = tpu.memref_slice %dma_start3A_794[%dma_start3A_795] : memref<200xi32, #tpu.memory_space<vmem>> -> memref<128xi32, #tpu.memory_space<vmem>>
        %dma_start3A_797 = arith.constant 0 : i32
        %dma_start3A_798 = arith.constant 0 : i32
        %dma_start3A_799 = tpu.memref_slice %arg5[%dma_start3A_797, %dma_start3A_798] : memref<1000x64xf32, #tpu.memory_space<vmem_shared>> -> memref<1000x64xf32, #tpu.memory_space<vmem_shared>>
        tpu.enqueue_indirect_dma source(%dma_start3A_799 : memref<1000x64xf32, #tpu.memory_space<vmem_shared>>) target(%dma_start3A_787 : memref<128x64xf32, #tpu.memory_space<vmem>>) offsets(%dma_start3A_796 : memref<128xi32, #tpu.memory_space<vmem>>) semaphore(%arg8 : memref<!tpu.dma_semaphore, #tpu.memory_space<semaphore_mem>>)
        %dma_start3A_800 = arith.constant 1 : i32
        %dma_start3A_801 = arith.constant 0 : i32
        %dma_start3A_802 = arith.constant 1 : i32
        %dma_start3A_803 = arith.constant 0 : i32
        %dma_start3A_804 = arith.constant 0 : i32
        %dma_start3A_805 = arith.constant 0 : i32
        %dma_start3A_806 = arith.constant 0 : i32
        %dma_start3A_807 = tpu.memref_slice %arg7[%dma_start3A_802, %dma_start3A_804, %dma_start3A_805, %dma_start3A_806] : memref<2x4x200x64xf32, #tpu.memory_space<vmem>> -> memref<1x4x200x64xf32, #tpu.memory_space<vmem>>
        %dma_start3A_808 = tpu.memref_squeeze %dma_start3A_807 : memref<1x4x200x64xf32, #tpu.memory_space<vmem>> -> memref<4x200x64xf32, #tpu.memory_space<vmem>>
        %dma_start3A_809 = arith.constant 0 : i32
        %dma_start3A_810 = arith.constant 0 : i32
        %dma_start3A_811 = tpu.memref_slice %dma_start3A_808[%dma_start3A_803, %dma_start3A_809, %dma_start3A_810] : memref<4x200x64xf32, #tpu.memory_space<vmem>> -> memref<1x200x64xf32, #tpu.memory_space<vmem>>
        %dma_start3A_812 = tpu.memref_squeeze %dma_start3A_811 : memref<1x200x64xf32, #tpu.memory_space<vmem>> -> memref<200x64xf32, #tpu.memory_space<vmem>>
        %dma_start3A_813 = arith.constant 128 : i32
        %dma_start3A_814 = arith.constant 0 : i32
        %dma_start3A_815 = tpu.memref_slice %dma_start3A_812[%dma_start3A_813, %dma_start3A_814] : memref<200x64xf32, #tpu.memory_space<vmem>> -> memref<72x64xf32, #tpu.memory_space<vmem>>
        %dma_start3A_816 = arith.constant 0 : i32
        %dma_start3A_817 = arith.constant 0 : i32
        %dma_start3A_818 = tpu.memref_slice %arg6[%dma_start3A_800, %dma_start3A_816, %dma_start3A_817] : memref<2x4x200xi32, #tpu.memory_space<vmem>> -> memref<1x4x200xi32, #tpu.memory_space<vmem>>
        %dma_start3A_819 = tpu.memref_squeeze %dma_start3A_818 : memref<1x4x200xi32, #tpu.memory_space<vmem>> -> memref<4x200xi32, #tpu.memory_space<vmem>>
        %dma_start3A_820 = arith.constant 0 : i32
        %dma_start3A_821 = tpu.memref_slice %dma_start3A_819[%dma_start3A_801, %dma_start3A_820] : memref<4x200xi32, #tpu.memory_space<vmem>> -> memref<1x200xi32, #tpu.memory_space<vmem>>
        %dma_start3A_822 = tpu.memref_squeeze %dma_start3A_821 : memref<1x200xi32, #tpu.memory_space<vmem>> -> memref<200xi32, #tpu.memory_space<vmem>>
        %dma_start3A_823 = arith.constant 128 : i32
        %dma_start3A_824 = tpu.memref_slice %dma_start3A_822[%dma_start3A_823] : memref<200xi32, #tpu.memory_space<vmem>> -> memref<72xi32, #tpu.memory_space<vmem>>
        %dma_start3A_825 = arith.constant 0 : i32
        %dma_start3A_826 = arith.constant 0 : i32
        %dma_start3A_827 = tpu.memref_slice %arg5[%dma_start3A_825, %dma_start3A_826] : memref<1000x64xf32, #tpu.memory_space<vmem_shared>> -> memref<1000x64xf32, #tpu.memory_space<vmem_shared>>
        tpu.enqueue_indirect_dma source(%dma_start3A_827 : memref<1000x64xf32, #tpu.memory_space<vmem_shared>>) target(%dma_start3A_815 : memref<72x64xf32, #tpu.memory_space<vmem>>) offsets(%dma_start3A_824 : memref<72xi32, #tpu.memory_space<vmem>>) semaphore(%arg8 : memref<!tpu.dma_semaphore, #tpu.memory_space<semaphore_mem>>)
        %dma_start3A_828 = arith.constant 1 : i32
        %dma_start3A_829 = arith.constant 1 : i32
        %dma_start3A_830 = arith.constant 1 : i32
        %dma_start3A_831 = arith.constant 1 : i32
        %dma_start3A_832 = arith.constant 0 : i32
        %dma_start3A_833 = arith.constant 0 : i32
        %dma_start3A_834 = arith.constant 0 : i32
        %dma_start3A_835 = tpu.memref_slice %arg7[%dma_start3A_830, %dma_start3A_832, %dma_start3A_833, %dma_start3A_834] : memref<2x4x200x64xf32, #tpu.memory_space<vmem>> -> memref<1x4x200x64xf32, #tpu.memory_space<vmem>>
        %dma_start3A_836 = tpu.memref_squeeze %dma_start3A_835 : memref<1x4x200x64xf32, #tpu.memory_space<vmem>> -> memref<4x200x64xf32, #tpu.memory_space<vmem>>
        %dma_start3A_837 = arith.constant 0 : i32
        %dma_start3A_838 = arith.constant 0 : i32
        %dma_start3A_839 = tpu.memref_slice %dma_start3A_836[%dma_start3A_831, %dma_start3A_837, %dma_start3A_838] : memref<4x200x64xf32, #tpu.memory_space<vmem>> -> memref<1x200x64xf32, #tpu.memory_space<vmem>>
        %dma_start3A_840 = tpu.memref_squeeze %dma_start3A_839 : memref<1x200x64xf32, #tpu.memory_space<vmem>> -> memref<200x64xf32, #tpu.memory_space<vmem>>
        %dma_start3A_841 = arith.constant 0 : i32
        %dma_start3A_842 = arith.constant 0 : i32
        %dma_start3A_843 = tpu.memref_slice %dma_start3A_840[%dma_start3A_841, %dma_start3A_842] : memref<200x64xf32, #tpu.memory_space<vmem>> -> memref<128x64xf32, #tpu.memory_space<vmem>>
        %dma_start3A_844 = arith.constant 0 : i32
        %dma_start3A_845 = arith.constant 0 : i32
        %dma_start3A_846 = tpu.memref_slice %arg6[%dma_start3A_828, %dma_start3A_844, %dma_start3A_845] : memref<2x4x200xi32, #tpu.memory_space<vmem>> -> memref<1x4x200xi32, #tpu.memory_space<vmem>>
        %dma_start3A_847 = tpu.memref_squeeze %dma_start3A_846 : memref<1x4x200xi32, #tpu.memory_space<vmem>> -> memref<4x200xi32, #tpu.memory_space<vmem>>
        %dma_start3A_848 = arith.constant 0 : i32
        %dma_start3A_849 = tpu.memref_slice %dma_start3A_847[%dma_start3A_829, %dma_start3A_848] : memref<4x200xi32, #tpu.memory_space<vmem>> -> memref<1x200xi32, #tpu.memory_space<vmem>>
        %dma_start3A_850 = tpu.memref_squeeze %dma_start3A_849 : memref<1x200xi32, #tpu.memory_space<vmem>> -> memref<200xi32, #tpu.memory_space<vmem>>
        %dma_start3A_851 = arith.constant 0 : i32
        %dma_start3A_852 = tpu.memref_slice %dma_start3A_850[%dma_start3A_851] : memref<200xi32, #tpu.memory_space<vmem>> -> memref<128xi32, #tpu.memory_space<vmem>>
        %dma_start3A_853 = arith.constant 0 : i32
        %dma_start3A_854 = arith.constant 0 : i32
        %dma_start3A_855 = tpu.memref_slice %arg5[%dma_start3A_853, %dma_start3A_854] : memref<1000x64xf32, #tpu.memory_space<vmem_shared>> -> memref<1000x64xf32, #tpu.memory_space<vmem_shared>>
        tpu.enqueue_indirect_dma source(%dma_start3A_855 : memref<1000x64xf32, #tpu.memory_space<vmem_shared>>) target(%dma_start3A_843 : memref<128x64xf32, #tpu.memory_space<vmem>>) offsets(%dma_start3A_852 : memref<128xi32, #tpu.memory_space<vmem>>) semaphore(%arg8 : memref<!tpu.dma_semaphore, #tpu.memory_space<semaphore_mem>>)
        %dma_start3A_856 = arith.constant 1 : i32
        %dma_start3A_857 = arith.constant 1 : i32
        %dma_start3A_858 = arith.constant 1 : i32
        %dma_start3A_859 = arith.constant 1 : i32
        %dma_start3A_860 = arith.constant 0 : i32
        %dma_start3A_861 = arith.constant 0 : i32
        %dma_start3A_862 = arith.constant 0 : i32
        %dma_start3A_863 = tpu.memref_slice %arg7[%dma_start3A_858, %dma_start3A_860, %dma_start3A_861, %dma_start3A_862] : memref<2x4x200x64xf32, #tpu.memory_space<vmem>> -> memref<1x4x200x64xf32, #tpu.memory_space<vmem>>
        %dma_start3A_864 = tpu.memref_squeeze %dma_start3A_863 : memref<1x4x200x64xf32, #tpu.memory_space<vmem>> -> memref<4x200x64xf32, #tpu.memory_space<vmem>>
        %dma_start3A_865 = arith.constant 0 : i32
        %dma_start3A_866 = arith.constant 0 : i32
        %dma_start3A_867 = tpu.memref_slice %dma_start3A_864[%dma_start3A_859, %dma_start3A_865, %dma_start3A_866] : memref<4x200x64xf32, #tpu.memory_space<vmem>> -> memref<1x200x64xf32, #tpu.memory_space<vmem>>
        %dma_start3A_868 = tpu.memref_squeeze %dma_start3A_867 : memref<1x200x64xf32, #tpu.memory_space<vmem>> -> memref<200x64xf32, #tpu.memory_space<vmem>>
        %dma_start3A_869 = arith.constant 128 : i32
        %dma_start3A_870 = arith.constant 0 : i32
        %dma_start3A_871 = tpu.memref_slice %dma_start3A_868[%dma_start3A_869, %dma_start3A_870] : memref<200x64xf32, #tpu.memory_space<vmem>> -> memref<72x64xf32, #tpu.memory_space<vmem>>
        %dma_start3A_872 = arith.constant 0 : i32
        %dma_start3A_873 = arith.constant 0 : i32
        %dma_start3A_874 = tpu.memref_slice %arg6[%dma_start3A_856, %dma_start3A_872, %dma_start3A_873] : memref<2x4x200xi32, #tpu.memory_space<vmem>> -> memref<1x4x200xi32, #tpu.memory_space<vmem>>
        %dma_start3A_875 = tpu.memref_squeeze %dma_start3A_874 : memref<1x4x200xi32, #tpu.memory_space<vmem>> -> memref<4x200xi32, #tpu.memory_space<vmem>>
        %dma_start3A_876 = arith.constant 0 : i32
        %dma_start3A_877 = tpu.memref_slice %dma_start3A_875[%dma_start3A_857, %dma_start3A_876] : memref<4x200xi32, #tpu.memory_space<vmem>> -> memref<1x200xi32, #tpu.memory_space<vmem>>
        %dma_start3A_878 = tpu.memref_squeeze %dma_start3A_877 : memref<1x200xi32, #tpu.memory_space<vmem>> -> memref<200xi32, #tpu.memory_space<vmem>>
        %dma_start3A_879 = arith.constant 128 : i32
        %dma_start3A_880 = tpu.memref_slice %dma_start3A_878[%dma_start3A_879] : memref<200xi32, #tpu.memory_space<vmem>> -> memref<72xi32, #tpu.memory_space<vmem>>
        %dma_start3A_881 = arith.constant 0 : i32
        %dma_start3A_882 = arith.constant 0 : i32
        %dma_start3A_883 = tpu.memref_slice %arg5[%dma_start3A_881, %dma_start3A_882] : memref<1000x64xf32, #tpu.memory_space<vmem_shared>> -> memref<1000x64xf32, #tpu.memory_space<vmem_shared>>
        tpu.enqueue_indirect_dma source(%dma_start3A_883 : memref<1000x64xf32, #tpu.memory_space<vmem_shared>>) target(%dma_start3A_871 : memref<72x64xf32, #tpu.memory_space<vmem>>) offsets(%dma_start3A_880 : memref<72xi32, #tpu.memory_space<vmem>>) semaphore(%arg8 : memref<!tpu.dma_semaphore, #tpu.memory_space<semaphore_mem>>)
        %dma_start3A_884 = arith.constant 1 : i32
        %dma_start3A_885 = arith.constant 2 : i32
        %dma_start3A_886 = arith.constant 1 : i32
        %dma_start3A_887 = arith.constant 2 : i32
        %dma_start3A_888 = arith.constant 0 : i32
        %dma_start3A_889 = arith.constant 0 : i32
        %dma_start3A_890 = arith.constant 0 : i32
        %dma_start3A_891 = tpu.memref_slice %arg7[%dma_start3A_886, %dma_start3A_888, %dma_start3A_889, %dma_start3A_890] : memref<2x4x200x64xf32, #tpu.memory_space<vmem>> -> memref<1x4x200x64xf32, #tpu.memory_space<vmem>>
        %dma_start3A_892 = tpu.memref_squeeze %dma_start3A_891 : memref<1x4x200x64xf32, #tpu.memory_space<vmem>> -> memref<4x200x64xf32, #tpu.memory_space<vmem>>
        %dma_start3A_893 = arith.constant 0 : i32
        %dma_start3A_894 = arith.constant 0 : i32
        %dma_start3A_895 = tpu.memref_slice %dma_start3A_892[%dma_start3A_887, %dma_start3A_893, %dma_start3A_894] : memref<4x200x64xf32, #tpu.memory_space<vmem>> -> memref<1x200x64xf32, #tpu.memory_space<vmem>>
        %dma_start3A_896 = tpu.memref_squeeze %dma_start3A_895 : memref<1x200x64xf32, #tpu.memory_space<vmem>> -> memref<200x64xf32, #tpu.memory_space<vmem>>
        %dma_start3A_897 = arith.constant 0 : i32
        %dma_start3A_898 = arith.constant 0 : i32
        %dma_start3A_899 = tpu.memref_slice %dma_start3A_896[%dma_start3A_897, %dma_start3A_898] : memref<200x64xf32, #tpu.memory_space<vmem>> -> memref<128x64xf32, #tpu.memory_space<vmem>>
        %dma_start3A_900 = arith.constant 0 : i32
        %dma_start3A_901 = arith.constant 0 : i32
        %dma_start3A_902 = tpu.memref_slice %arg6[%dma_start3A_884, %dma_start3A_900, %dma_start3A_901] : memref<2x4x200xi32, #tpu.memory_space<vmem>> -> memref<1x4x200xi32, #tpu.memory_space<vmem>>
        %dma_start3A_903 = tpu.memref_squeeze %dma_start3A_902 : memref<1x4x200xi32, #tpu.memory_space<vmem>> -> memref<4x200xi32, #tpu.memory_space<vmem>>
        %dma_start3A_904 = arith.constant 0 : i32
        %dma_start3A_905 = tpu.memref_slice %dma_start3A_903[%dma_start3A_885, %dma_start3A_904] : memref<4x200xi32, #tpu.memory_space<vmem>> -> memref<1x200xi32, #tpu.memory_space<vmem>>
        %dma_start3A_906 = tpu.memref_squeeze %dma_start3A_905 : memref<1x200xi32, #tpu.memory_space<vmem>> -> memref<200xi32, #tpu.memory_space<vmem>>
        %dma_start3A_907 = arith.constant 0 : i32
        %dma_start3A_908 = tpu.memref_slice %dma_start3A_906[%dma_start3A_907] : memref<200xi32, #tpu.memory_space<vmem>> -> memref<128xi32, #tpu.memory_space<vmem>>
        %dma_start3A_909 = arith.constant 0 : i32
        %dma_start3A_910 = arith.constant 0 : i32
        %dma_start3A_911 = tpu.memref_slice %arg5[%dma_start3A_909, %dma_start3A_910] : memref<1000x64xf32, #tpu.memory_space<vmem_shared>> -> memref<1000x64xf32, #tpu.memory_space<vmem_shared>>
        tpu.enqueue_indirect_dma source(%dma_start3A_911 : memref<1000x64xf32, #tpu.memory_space<vmem_shared>>) target(%dma_start3A_899 : memref<128x64xf32, #tpu.memory_space<vmem>>) offsets(%dma_start3A_908 : memref<128xi32, #tpu.memory_space<vmem>>) semaphore(%arg8 : memref<!tpu.dma_semaphore, #tpu.memory_space<semaphore_mem>>)
        %dma_start3A_912 = arith.constant 1 : i32
        %dma_start3A_913 = arith.constant 2 : i32
        %dma_start3A_914 = arith.constant 1 : i32
        %dma_start3A_915 = arith.constant 2 : i32
        %dma_start3A_916 = arith.constant 0 : i32
        %dma_start3A_917 = arith.constant 0 : i32
        %dma_start3A_918 = arith.constant 0 : i32
        %dma_start3A_919 = tpu.memref_slice %arg7[%dma_start3A_914, %dma_start3A_916, %dma_start3A_917, %dma_start3A_918] : memref<2x4x200x64xf32, #tpu.memory_space<vmem>> -> memref<1x4x200x64xf32, #tpu.memory_space<vmem>>
        %dma_start3A_920 = tpu.memref_squeeze %dma_start3A_919 : memref<1x4x200x64xf32, #tpu.memory_space<vmem>> -> memref<4x200x64xf32, #tpu.memory_space<vmem>>
        %dma_start3A_921 = arith.constant 0 : i32
        %dma_start3A_922 = arith.constant 0 : i32
        %dma_start3A_923 = tpu.memref_slice %dma_start3A_920[%dma_start3A_915, %dma_start3A_921, %dma_start3A_922] : memref<4x200x64xf32, #tpu.memory_space<vmem>> -> memref<1x200x64xf32, #tpu.memory_space<vmem>>
        %dma_start3A_924 = tpu.memref_squeeze %dma_start3A_923 : memref<1x200x64xf32, #tpu.memory_space<vmem>> -> memref<200x64xf32, #tpu.memory_space<vmem>>
        %dma_start3A_925 = arith.constant 128 : i32
        %dma_start3A_926 = arith.constant 0 : i32
        %dma_start3A_927 = tpu.memref_slice %dma_start3A_924[%dma_start3A_925, %dma_start3A_926] : memref<200x64xf32, #tpu.memory_space<vmem>> -> memref<72x64xf32, #tpu.memory_space<vmem>>
        %dma_start3A_928 = arith.constant 0 : i32
        %dma_start3A_929 = arith.constant 0 : i32
        %dma_start3A_930 = tpu.memref_slice %arg6[%dma_start3A_912, %dma_start3A_928, %dma_start3A_929] : memref<2x4x200xi32, #tpu.memory_space<vmem>> -> memref<1x4x200xi32, #tpu.memory_space<vmem>>
        %dma_start3A_931 = tpu.memref_squeeze %dma_start3A_930 : memref<1x4x200xi32, #tpu.memory_space<vmem>> -> memref<4x200xi32, #tpu.memory_space<vmem>>
        %dma_start3A_932 = arith.constant 0 : i32
        %dma_start3A_933 = tpu.memref_slice %dma_start3A_931[%dma_start3A_913, %dma_start3A_932] : memref<4x200xi32, #tpu.memory_space<vmem>> -> memref<1x200xi32, #tpu.memory_space<vmem>>
        %dma_start3A_934 = tpu.memref_squeeze %dma_start3A_933 : memref<1x200xi32, #tpu.memory_space<vmem>> -> memref<200xi32, #tpu.memory_space<vmem>>
        %dma_start3A_935 = arith.constant 128 : i32
        %dma_start3A_936 = tpu.memref_slice %dma_start3A_934[%dma_start3A_935] : memref<200xi32, #tpu.memory_space<vmem>> -> memref<72xi32, #tpu.memory_space<vmem>>
        %dma_start3A_937 = arith.constant 0 : i32
        %dma_start3A_938 = arith.constant 0 : i32
        %dma_start3A_939 = tpu.memref_slice %arg5[%dma_start3A_937, %dma_start3A_938] : memref<1000x64xf32, #tpu.memory_space<vmem_shared>> -> memref<1000x64xf32, #tpu.memory_space<vmem_shared>>
        tpu.enqueue_indirect_dma source(%dma_start3A_939 : memref<1000x64xf32, #tpu.memory_space<vmem_shared>>) target(%dma_start3A_927 : memref<72x64xf32, #tpu.memory_space<vmem>>) offsets(%dma_start3A_936 : memref<72xi32, #tpu.memory_space<vmem>>) semaphore(%arg8 : memref<!tpu.dma_semaphore, #tpu.memory_space<semaphore_mem>>)
        %dma_start3A_940 = arith.constant 1 : i32
        %dma_start3A_941 = arith.constant 3 : i32
        %dma_start3A_942 = arith.constant 1 : i32
        %dma_start3A_943 = arith.constant 3 : i32
        %dma_start3A_944 = arith.constant 0 : i32
        %dma_start3A_945 = arith.constant 0 : i32
        %dma_start3A_946 = arith.constant 0 : i32
        %dma_start3A_947 = tpu.memref_slice %arg7[%dma_start3A_942, %dma_start3A_944, %dma_start3A_945, %dma_start3A_946] : memref<2x4x200x64xf32, #tpu.memory_space<vmem>> -> memref<1x4x200x64xf32, #tpu.memory_space<vmem>>
        %dma_start3A_948 = tpu.memref_squeeze %dma_start3A_947 : memref<1x4x200x64xf32, #tpu.memory_space<vmem>> -> memref<4x200x64xf32, #tpu.memory_space<vmem>>
        %dma_start3A_949 = arith.constant 0 : i32
        %dma_start3A_950 = arith.constant 0 : i32
        %dma_start3A_951 = tpu.memref_slice %dma_start3A_948[%dma_start3A_943, %dma_start3A_949, %dma_start3A_950] : memref<4x200x64xf32, #tpu.memory_space<vmem>> -> memref<1x200x64xf32, #tpu.memory_space<vmem>>
        %dma_start3A_952 = tpu.memref_squeeze %dma_start3A_951 : memref<1x200x64xf32, #tpu.memory_space<vmem>> -> memref<200x64xf32, #tpu.memory_space<vmem>>
        %dma_start3A_953 = arith.constant 0 : i32
        %dma_start3A_954 = arith.constant 0 : i32
        %dma_start3A_955 = tpu.memref_slice %dma_start3A_952[%dma_start3A_953, %dma_start3A_954] : memref<200x64xf32, #tpu.memory_space<vmem>> -> memref<128x64xf32, #tpu.memory_space<vmem>>
        %dma_start3A_956 = arith.constant 0 : i32
        %dma_start3A_957 = arith.constant 0 : i32
        %dma_start3A_958 = tpu.memref_slice %arg6[%dma_start3A_940, %dma_start3A_956, %dma_start3A_957] : memref<2x4x200xi32, #tpu.memory_space<vmem>> -> memref<1x4x200xi32, #tpu.memory_space<vmem>>
        %dma_start3A_959 = tpu.memref_squeeze %dma_start3A_958 : memref<1x4x200xi32, #tpu.memory_space<vmem>> -> memref<4x200xi32, #tpu.memory_space<vmem>>
        %dma_start3A_960 = arith.constant 0 : i32
        %dma_start3A_961 = tpu.memref_slice %dma_start3A_959[%dma_start3A_941, %dma_start3A_960] : memref<4x200xi32, #tpu.memory_space<vmem>> -> memref<1x200xi32, #tpu.memory_space<vmem>>
        %dma_start3A_962 = tpu.memref_squeeze %dma_start3A_961 : memref<1x200xi32, #tpu.memory_space<vmem>> -> memref<200xi32, #tpu.memory_space<vmem>>
        %dma_start3A_963 = arith.constant 0 : i32
        %dma_start3A_964 = tpu.memref_slice %dma_start3A_962[%dma_start3A_963] : memref<200xi32, #tpu.memory_space<vmem>> -> memref<128xi32, #tpu.memory_space<vmem>>
        %dma_start3A_965 = arith.constant 0 : i32
        %dma_start3A_966 = arith.constant 0 : i32
        %dma_start3A_967 = tpu.memref_slice %arg5[%dma_start3A_965, %dma_start3A_966] : memref<1000x64xf32, #tpu.memory_space<vmem_shared>> -> memref<1000x64xf32, #tpu.memory_space<vmem_shared>>
        tpu.enqueue_indirect_dma source(%dma_start3A_967 : memref<1000x64xf32, #tpu.memory_space<vmem_shared>>) target(%dma_start3A_955 : memref<128x64xf32, #tpu.memory_space<vmem>>) offsets(%dma_start3A_964 : memref<128xi32, #tpu.memory_space<vmem>>) semaphore(%arg8 : memref<!tpu.dma_semaphore, #tpu.memory_space<semaphore_mem>>)
        %dma_start3A_968 = arith.constant 1 : i32
        %dma_start3A_969 = arith.constant 3 : i32
        %dma_start3A_970 = arith.constant 1 : i32
        %dma_start3A_971 = arith.constant 3 : i32
        %dma_start3A_972 = arith.constant 0 : i32
        %dma_start3A_973 = arith.constant 0 : i32
        %dma_start3A_974 = arith.constant 0 : i32
        %dma_start3A_975 = tpu.memref_slice %arg7[%dma_start3A_970, %dma_start3A_972, %dma_start3A_973, %dma_start3A_974] : memref<2x4x200x64xf32, #tpu.memory_space<vmem>> -> memref<1x4x200x64xf32, #tpu.memory_space<vmem>>
        %dma_start3A_976 = tpu.memref_squeeze %dma_start3A_975 : memref<1x4x200x64xf32, #tpu.memory_space<vmem>> -> memref<4x200x64xf32, #tpu.memory_space<vmem>>
        %dma_start3A_977 = arith.constant 0 : i32
        %dma_start3A_978 = arith.constant 0 : i32
        %dma_start3A_979 = tpu.memref_slice %dma_start3A_976[%dma_start3A_971, %dma_start3A_977, %dma_start3A_978] : memref<4x200x64xf32, #tpu.memory_space<vmem>> -> memref<1x200x64xf32, #tpu.memory_space<vmem>>
        %dma_start3A_980 = tpu.memref_squeeze %dma_start3A_979 : memref<1x200x64xf32, #tpu.memory_space<vmem>> -> memref<200x64xf32, #tpu.memory_space<vmem>>
        %dma_start3A_981 = arith.constant 128 : i32
        %dma_start3A_982 = arith.constant 0 : i32
        %dma_start3A_983 = tpu.memref_slice %dma_start3A_980[%dma_start3A_981, %dma_start3A_982] : memref<200x64xf32, #tpu.memory_space<vmem>> -> memref<72x64xf32, #tpu.memory_space<vmem>>
        %dma_start3A_984 = arith.constant 0 : i32
        %dma_start3A_985 = arith.constant 0 : i32
        %dma_start3A_986 = tpu.memref_slice %arg6[%dma_start3A_968, %dma_start3A_984, %dma_start3A_985] : memref<2x4x200xi32, #tpu.memory_space<vmem>> -> memref<1x4x200xi32, #tpu.memory_space<vmem>>
        %dma_start3A_987 = tpu.memref_squeeze %dma_start3A_986 : memref<1x4x200xi32, #tpu.memory_space<vmem>> -> memref<4x200xi32, #tpu.memory_space<vmem>>
        %dma_start3A_988 = arith.constant 0 : i32
        %dma_start3A_989 = tpu.memref_slice %dma_start3A_987[%dma_start3A_969, %dma_start3A_988] : memref<4x200xi32, #tpu.memory_space<vmem>> -> memref<1x200xi32, #tpu.memory_space<vmem>>
        %dma_start3A_990 = tpu.memref_squeeze %dma_start3A_989 : memref<1x200xi32, #tpu.memory_space<vmem>> -> memref<200xi32, #tpu.memory_space<vmem>>
        %dma_start3A_991 = arith.constant 128 : i32
        %dma_start3A_992 = tpu.memref_slice %dma_start3A_990[%dma_start3A_991] : memref<200xi32, #tpu.memory_space<vmem>> -> memref<72xi32, #tpu.memory_space<vmem>>
        %dma_start3A_993 = arith.constant 0 : i32
        %dma_start3A_994 = arith.constant 0 : i32
        %dma_start3A_995 = tpu.memref_slice %arg5[%dma_start3A_993, %dma_start3A_994] : memref<1000x64xf32, #tpu.memory_space<vmem_shared>> -> memref<1000x64xf32, #tpu.memory_space<vmem_shared>>
        tpu.enqueue_indirect_dma source(%dma_start3A_995 : memref<1000x64xf32, #tpu.memory_space<vmem_shared>>) target(%dma_start3A_983 : memref<72x64xf32, #tpu.memory_space<vmem>>) offsets(%dma_start3A_992 : memref<72xi32, #tpu.memory_space<vmem>>) semaphore(%arg8 : memref<!tpu.dma_semaphore, #tpu.memory_space<semaphore_mem>>)
      } else {
      }
      %add3A_508 = arith.constant 1 : i32
      %add3A_509 = arith.addi %mul3A_253, %add3A_508 : i32
      %dma_wait3A_510 = arith.constant 1 : i32
      %dma_wait3A_511 = arith.constant 0 : i32
      %dma_wait3A_512 = arith.constant 1 : i32
      %dma_wait3A_513 = arith.constant 0 : i32
      %dma_wait3A_514 = arith.constant 0 : i32
      %dma_wait3A_515 = arith.constant 0 : i32
      %dma_wait3A_516 = arith.constant 0 : i32
      %dma_wait3A_517 = tpu.memref_slice %arg7[%dma_wait3A_512, %dma_wait3A_514, %dma_wait3A_515, %dma_wait3A_516] : memref<2x4x200x64xf32, #tpu.memory_space<vmem>> -> memref<1x4x200x64xf32, #tpu.memory_space<vmem>>
      %dma_wait3A_518 = tpu.memref_squeeze %dma_wait3A_517 : memref<1x4x200x64xf32, #tpu.memory_space<vmem>> -> memref<4x200x64xf32, #tpu.memory_space<vmem>>
      %dma_wait3A_519 = arith.constant 0 : i32
      %dma_wait3A_520 = arith.constant 0 : i32
      %dma_wait3A_521 = tpu.memref_slice %dma_wait3A_518[%dma_wait3A_513, %dma_wait3A_519, %dma_wait3A_520] : memref<4x200x64xf32, #tpu.memory_space<vmem>> -> memref<1x200x64xf32, #tpu.memory_space<vmem>>
      %dma_wait3A_522 = tpu.memref_squeeze %dma_wait3A_521 : memref<1x200x64xf32, #tpu.memory_space<vmem>> -> memref<200x64xf32, #tpu.memory_space<vmem>>
      %dma_wait3A_523 = arith.constant 0 : i32
      %dma_wait3A_524 = arith.constant 0 : i32
      %dma_wait3A_525 = tpu.memref_slice %dma_wait3A_522[%dma_wait3A_523, %dma_wait3A_524] : memref<200x64xf32, #tpu.memory_space<vmem>> -> memref<128x64xf32, #tpu.memory_space<vmem>>
      %dma_wait3A_526 = arith.constant 0 : i32
      %dma_wait3A_527 = arith.constant 0 : i32
      %dma_wait3A_528 = tpu.memref_slice %arg6[%dma_wait3A_510, %dma_wait3A_526, %dma_wait3A_527] : memref<2x4x200xi32, #tpu.memory_space<vmem>> -> memref<1x4x200xi32, #tpu.memory_space<vmem>>
      %dma_wait3A_529 = tpu.memref_squeeze %dma_wait3A_528 : memref<1x4x200xi32, #tpu.memory_space<vmem>> -> memref<4x200xi32, #tpu.memory_space<vmem>>
      %dma_wait3A_530 = arith.constant 0 : i32
      %dma_wait3A_531 = tpu.memref_slice %dma_wait3A_529[%dma_wait3A_511, %dma_wait3A_530] : memref<4x200xi32, #tpu.memory_space<vmem>> -> memref<1x200xi32, #tpu.memory_space<vmem>>
      %dma_wait3A_532 = tpu.memref_squeeze %dma_wait3A_531 : memref<1x200xi32, #tpu.memory_space<vmem>> -> memref<200xi32, #tpu.memory_space<vmem>>
      %dma_wait3A_533 = arith.constant 0 : i32
      %dma_wait3A_534 = tpu.memref_slice %dma_wait3A_532[%dma_wait3A_533] : memref<200xi32, #tpu.memory_space<vmem>> -> memref<128xi32, #tpu.memory_space<vmem>>
      %dma_wait3A_535 = arith.constant 0 : i32
      %dma_wait3A_536 = arith.constant 0 : i32
      %dma_wait3A_537 = tpu.memref_slice %arg5[%dma_wait3A_535, %dma_wait3A_536] : memref<1000x64xf32, #tpu.memory_space<vmem_shared>> -> memref<1000x64xf32, #tpu.memory_space<vmem_shared>>
      tpu.wait_indirect_dma semaphore(%arg8 : memref<!tpu.dma_semaphore, #tpu.memory_space<semaphore_mem>>) src(%dma_wait3A_537 : memref<1000x64xf32, #tpu.memory_space<vmem_shared>>) dst(%dma_wait3A_525 : memref<128x64xf32, #tpu.memory_space<vmem>>)
      %dma_wait3A_538 = arith.constant 1 : i32
      %dma_wait3A_539 = arith.constant 0 : i32
      %dma_wait3A_540 = arith.constant 1 : i32
      %dma_wait3A_541 = arith.constant 0 : i32
      %dma_wait3A_542 = arith.constant 0 : i32
      %dma_wait3A_543 = arith.constant 0 : i32
      %dma_wait3A_544 = arith.constant 0 : i32
      %dma_wait3A_545 = tpu.memref_slice %arg7[%dma_wait3A_540, %dma_wait3A_542, %dma_wait3A_543, %dma_wait3A_544] : memref<2x4x200x64xf32, #tpu.memory_space<vmem>> -> memref<1x4x200x64xf32, #tpu.memory_space<vmem>>
      %dma_wait3A_546 = tpu.memref_squeeze %dma_wait3A_545 : memref<1x4x200x64xf32, #tpu.memory_space<vmem>> -> memref<4x200x64xf32, #tpu.memory_space<vmem>>
      %dma_wait3A_547 = arith.constant 0 : i32
      %dma_wait3A_548 = arith.constant 0 : i32
      %dma_wait3A_549 = tpu.memref_slice %dma_wait3A_546[%dma_wait3A_541, %dma_wait3A_547, %dma_wait3A_548] : memref<4x200x64xf32, #tpu.memory_space<vmem>> -> memref<1x200x64xf32, #tpu.memory_space<vmem>>
      %dma_wait3A_550 = tpu.memref_squeeze %dma_wait3A_549 : memref<1x200x64xf32, #tpu.memory_space<vmem>> -> memref<200x64xf32, #tpu.memory_space<vmem>>
      %dma_wait3A_551 = arith.constant 128 : i32
      %dma_wait3A_552 = arith.constant 0 : i32
      %dma_wait3A_553 = tpu.memref_slice %dma_wait3A_550[%dma_wait3A_551, %dma_wait3A_552] : memref<200x64xf32, #tpu.memory_space<vmem>> -> memref<72x64xf32, #tpu.memory_space<vmem>>
      %dma_wait3A_554 = arith.constant 0 : i32
      %dma_wait3A_555 = arith.constant 0 : i32
      %dma_wait3A_556 = tpu.memref_slice %arg6[%dma_wait3A_538, %dma_wait3A_554, %dma_wait3A_555] : memref<2x4x200xi32, #tpu.memory_space<vmem>> -> memref<1x4x200xi32, #tpu.memory_space<vmem>>
      %dma_wait3A_557 = tpu.memref_squeeze %dma_wait3A_556 : memref<1x4x200xi32, #tpu.memory_space<vmem>> -> memref<4x200xi32, #tpu.memory_space<vmem>>
      %dma_wait3A_558 = arith.constant 0 : i32
      %dma_wait3A_559 = tpu.memref_slice %dma_wait3A_557[%dma_wait3A_539, %dma_wait3A_558] : memref<4x200xi32, #tpu.memory_space<vmem>> -> memref<1x200xi32, #tpu.memory_space<vmem>>
      %dma_wait3A_560 = tpu.memref_squeeze %dma_wait3A_559 : memref<1x200xi32, #tpu.memory_space<vmem>> -> memref<200xi32, #tpu.memory_space<vmem>>
      %dma_wait3A_561 = arith.constant 128 : i32
      %dma_wait3A_562 = tpu.memref_slice %dma_wait3A_560[%dma_wait3A_561] : memref<200xi32, #tpu.memory_space<vmem>> -> memref<72xi32, #tpu.memory_space<vmem>>
      %dma_wait3A_563 = arith.constant 0 : i32
      %dma_wait3A_564 = arith.constant 0 : i32
      %dma_wait3A_565 = tpu.memref_slice %arg5[%dma_wait3A_563, %dma_wait3A_564] : memref<1000x64xf32, #tpu.memory_space<vmem_shared>> -> memref<1000x64xf32, #tpu.memory_space<vmem_shared>>
      tpu.wait_indirect_dma semaphore(%arg8 : memref<!tpu.dma_semaphore, #tpu.memory_space<semaphore_mem>>) src(%dma_wait3A_565 : memref<1000x64xf32, #tpu.memory_space<vmem_shared>>) dst(%dma_wait3A_553 : memref<72x64xf32, #tpu.memory_space<vmem>>)
      %dma_wait3A_566 = arith.constant 1 : i32
      %dma_wait3A_567 = arith.constant 1 : i32
      %dma_wait3A_568 = arith.constant 1 : i32
      %dma_wait3A_569 = arith.constant 1 : i32
      %dma_wait3A_570 = arith.constant 0 : i32
      %dma_wait3A_571 = arith.constant 0 : i32
      %dma_wait3A_572 = arith.constant 0 : i32
      %dma_wait3A_573 = tpu.memref_slice %arg7[%dma_wait3A_568, %dma_wait3A_570, %dma_wait3A_571, %dma_wait3A_572] : memref<2x4x200x64xf32, #tpu.memory_space<vmem>> -> memref<1x4x200x64xf32, #tpu.memory_space<vmem>>
      %dma_wait3A_574 = tpu.memref_squeeze %dma_wait3A_573 : memref<1x4x200x64xf32, #tpu.memory_space<vmem>> -> memref<4x200x64xf32, #tpu.memory_space<vmem>>
      %dma_wait3A_575 = arith.constant 0 : i32
      %dma_wait3A_576 = arith.constant 0 : i32
      %dma_wait3A_577 = tpu.memref_slice %dma_wait3A_574[%dma_wait3A_569, %dma_wait3A_575, %dma_wait3A_576] : memref<4x200x64xf32, #tpu.memory_space<vmem>> -> memref<1x200x64xf32, #tpu.memory_space<vmem>>
      %dma_wait3A_578 = tpu.memref_squeeze %dma_wait3A_577 : memref<1x200x64xf32, #tpu.memory_space<vmem>> -> memref<200x64xf32, #tpu.memory_space<vmem>>
      %dma_wait3A_579 = arith.constant 0 : i32
      %dma_wait3A_580 = arith.constant 0 : i32
      %dma_wait3A_581 = tpu.memref_slice %dma_wait3A_578[%dma_wait3A_579, %dma_wait3A_580] : memref<200x64xf32, #tpu.memory_space<vmem>> -> memref<128x64xf32, #tpu.memory_space<vmem>>
      %dma_wait3A_582 = arith.constant 0 : i32
      %dma_wait3A_583 = arith.constant 0 : i32
      %dma_wait3A_584 = tpu.memref_slice %arg6[%dma_wait3A_566, %dma_wait3A_582, %dma_wait3A_583] : memref<2x4x200xi32, #tpu.memory_space<vmem>> -> memref<1x4x200xi32, #tpu.memory_space<vmem>>
      %dma_wait3A_585 = tpu.memref_squeeze %dma_wait3A_584 : memref<1x4x200xi32, #tpu.memory_space<vmem>> -> memref<4x200xi32, #tpu.memory_space<vmem>>
      %dma_wait3A_586 = arith.constant 0 : i32
      %dma_wait3A_587 = tpu.memref_slice %dma_wait3A_585[%dma_wait3A_567, %dma_wait3A_586] : memref<4x200xi32, #tpu.memory_space<vmem>> -> memref<1x200xi32, #tpu.memory_space<vmem>>
      %dma_wait3A_588 = tpu.memref_squeeze %dma_wait3A_587 : memref<1x200xi32, #tpu.memory_space<vmem>> -> memref<200xi32, #tpu.memory_space<vmem>>
      %dma_wait3A_589 = arith.constant 0 : i32
      %dma_wait3A_590 = tpu.memref_slice %dma_wait3A_588[%dma_wait3A_589] : memref<200xi32, #tpu.memory_space<vmem>> -> memref<128xi32, #tpu.memory_space<vmem>>
      %dma_wait3A_591 = arith.constant 0 : i32
      %dma_wait3A_592 = arith.constant 0 : i32
      %dma_wait3A_593 = tpu.memref_slice %arg5[%dma_wait3A_591, %dma_wait3A_592] : memref<1000x64xf32, #tpu.memory_space<vmem_shared>> -> memref<1000x64xf32, #tpu.memory_space<vmem_shared>>
      tpu.wait_indirect_dma semaphore(%arg8 : memref<!tpu.dma_semaphore, #tpu.memory_space<semaphore_mem>>) src(%dma_wait3A_593 : memref<1000x64xf32, #tpu.memory_space<vmem_shared>>) dst(%dma_wait3A_581 : memref<128x64xf32, #tpu.memory_space<vmem>>)
      %dma_wait3A_594 = arith.constant 1 : i32
      %dma_wait3A_595 = arith.constant 1 : i32
      %dma_wait3A_596 = arith.constant 1 : i32
      %dma_wait3A_597 = arith.constant 1 : i32
      %dma_wait3A_598 = arith.constant 0 : i32
      %dma_wait3A_599 = arith.constant 0 : i32
      %dma_wait3A_600 = arith.constant 0 : i32
      %dma_wait3A_601 = tpu.memref_slice %arg7[%dma_wait3A_596, %dma_wait3A_598, %dma_wait3A_599, %dma_wait3A_600] : memref<2x4x200x64xf32, #tpu.memory_space<vmem>> -> memref<1x4x200x64xf32, #tpu.memory_space<vmem>>
      %dma_wait3A_602 = tpu.memref_squeeze %dma_wait3A_601 : memref<1x4x200x64xf32, #tpu.memory_space<vmem>> -> memref<4x200x64xf32, #tpu.memory_space<vmem>>
      %dma_wait3A_603 = arith.constant 0 : i32
      %dma_wait3A_604 = arith.constant 0 : i32
      %dma_wait3A_605 = tpu.memref_slice %dma_wait3A_602[%dma_wait3A_597, %dma_wait3A_603, %dma_wait3A_604] : memref<4x200x64xf32, #tpu.memory_space<vmem>> -> memref<1x200x64xf32, #tpu.memory_space<vmem>>
      %dma_wait3A_606 = tpu.memref_squeeze %dma_wait3A_605 : memref<1x200x64xf32, #tpu.memory_space<vmem>> -> memref<200x64xf32, #tpu.memory_space<vmem>>
      %dma_wait3A_607 = arith.constant 128 : i32
      %dma_wait3A_608 = arith.constant 0 : i32
      %dma_wait3A_609 = tpu.memref_slice %dma_wait3A_606[%dma_wait3A_607, %dma_wait3A_608] : memref<200x64xf32, #tpu.memory_space<vmem>> -> memref<72x64xf32, #tpu.memory_space<vmem>>
      %dma_wait3A_610 = arith.constant 0 : i32
      %dma_wait3A_611 = arith.constant 0 : i32
      %dma_wait3A_612 = tpu.memref_slice %arg6[%dma_wait3A_594, %dma_wait3A_610, %dma_wait3A_611] : memref<2x4x200xi32, #tpu.memory_space<vmem>> -> memref<1x4x200xi32, #tpu.memory_space<vmem>>
      %dma_wait3A_613 = tpu.memref_squeeze %dma_wait3A_612 : memref<1x4x200xi32, #tpu.memory_space<vmem>> -> memref<4x200xi32, #tpu.memory_space<vmem>>
      %dma_wait3A_614 = arith.constant 0 : i32
      %dma_wait3A_615 = tpu.memref_slice %dma_wait3A_613[%dma_wait3A_595, %dma_wait3A_614] : memref<4x200xi32, #tpu.memory_space<vmem>> -> memref<1x200xi32, #tpu.memory_space<vmem>>
      %dma_wait3A_616 = tpu.memref_squeeze %dma_wait3A_615 : memref<1x200xi32, #tpu.memory_space<vmem>> -> memref<200xi32, #tpu.memory_space<vmem>>
      %dma_wait3A_617 = arith.constant 128 : i32
      %dma_wait3A_618 = tpu.memref_slice %dma_wait3A_616[%dma_wait3A_617] : memref<200xi32, #tpu.memory_space<vmem>> -> memref<72xi32, #tpu.memory_space<vmem>>
      %dma_wait3A_619 = arith.constant 0 : i32
      %dma_wait3A_620 = arith.constant 0 : i32
      %dma_wait3A_621 = tpu.memref_slice %arg5[%dma_wait3A_619, %dma_wait3A_620] : memref<1000x64xf32, #tpu.memory_space<vmem_shared>> -> memref<1000x64xf32, #tpu.memory_space<vmem_shared>>
      tpu.wait_indirect_dma semaphore(%arg8 : memref<!tpu.dma_semaphore, #tpu.memory_space<semaphore_mem>>) src(%dma_wait3A_621 : memref<1000x64xf32, #tpu.memory_space<vmem_shared>>) dst(%dma_wait3A_609 : memref<72x64xf32, #tpu.memory_space<vmem>>)
      %dma_wait3A_622 = arith.constant 1 : i32
      %dma_wait3A_623 = arith.constant 2 : i32
      %dma_wait3A_624 = arith.constant 1 : i32
      %dma_wait3A_625 = arith.constant 2 : i32
      %dma_wait3A_626 = arith.constant 0 : i32
      %dma_wait3A_627 = arith.constant 0 : i32
      %dma_wait3A_628 = arith.constant 0 : i32
      %dma_wait3A_629 = tpu.memref_slice %arg7[%dma_wait3A_624, %dma_wait3A_626, %dma_wait3A_627, %dma_wait3A_628] : memref<2x4x200x64xf32, #tpu.memory_space<vmem>> -> memref<1x4x200x64xf32, #tpu.memory_space<vmem>>
      %dma_wait3A_630 = tpu.memref_squeeze %dma_wait3A_629 : memref<1x4x200x64xf32, #tpu.memory_space<vmem>> -> memref<4x200x64xf32, #tpu.memory_space<vmem>>
      %dma_wait3A_631 = arith.constant 0 : i32
      %dma_wait3A_632 = arith.constant 0 : i32
      %dma_wait3A_633 = tpu.memref_slice %dma_wait3A_630[%dma_wait3A_625, %dma_wait3A_631, %dma_wait3A_632] : memref<4x200x64xf32, #tpu.memory_space<vmem>> -> memref<1x200x64xf32, #tpu.memory_space<vmem>>
      %dma_wait3A_634 = tpu.memref_squeeze %dma_wait3A_633 : memref<1x200x64xf32, #tpu.memory_space<vmem>> -> memref<200x64xf32, #tpu.memory_space<vmem>>
      %dma_wait3A_635 = arith.constant 0 : i32
      %dma_wait3A_636 = arith.constant 0 : i32
      %dma_wait3A_637 = tpu.memref_slice %dma_wait3A_634[%dma_wait3A_635, %dma_wait3A_636] : memref<200x64xf32, #tpu.memory_space<vmem>> -> memref<128x64xf32, #tpu.memory_space<vmem>>
      %dma_wait3A_638 = arith.constant 0 : i32
      %dma_wait3A_639 = arith.constant 0 : i32
      %dma_wait3A_640 = tpu.memref_slice %arg6[%dma_wait3A_622, %dma_wait3A_638, %dma_wait3A_639] : memref<2x4x200xi32, #tpu.memory_space<vmem>> -> memref<1x4x200xi32, #tpu.memory_space<vmem>>
      %dma_wait3A_641 = tpu.memref_squeeze %dma_wait3A_640 : memref<1x4x200xi32, #tpu.memory_space<vmem>> -> memref<4x200xi32, #tpu.memory_space<vmem>>
      %dma_wait3A_642 = arith.constant 0 : i32
      %dma_wait3A_643 = tpu.memref_slice %dma_wait3A_641[%dma_wait3A_623, %dma_wait3A_642] : memref<4x200xi32, #tpu.memory_space<vmem>> -> memref<1x200xi32, #tpu.memory_space<vmem>>
      %dma_wait3A_644 = tpu.memref_squeeze %dma_wait3A_643 : memref<1x200xi32, #tpu.memory_space<vmem>> -> memref<200xi32, #tpu.memory_space<vmem>>
      %dma_wait3A_645 = arith.constant 0 : i32
      %dma_wait3A_646 = tpu.memref_slice %dma_wait3A_644[%dma_wait3A_645] : memref<200xi32, #tpu.memory_space<vmem>> -> memref<128xi32, #tpu.memory_space<vmem>>
      %dma_wait3A_647 = arith.constant 0 : i32
      %dma_wait3A_648 = arith.constant 0 : i32
      %dma_wait3A_649 = tpu.memref_slice %arg5[%dma_wait3A_647, %dma_wait3A_648] : memref<1000x64xf32, #tpu.memory_space<vmem_shared>> -> memref<1000x64xf32, #tpu.memory_space<vmem_shared>>
      tpu.wait_indirect_dma semaphore(%arg8 : memref<!tpu.dma_semaphore, #tpu.memory_space<semaphore_mem>>) src(%dma_wait3A_649 : memref<1000x64xf32, #tpu.memory_space<vmem_shared>>) dst(%dma_wait3A_637 : memref<128x64xf32, #tpu.memory_space<vmem>>)
      %dma_wait3A_650 = arith.constant 1 : i32
      %dma_wait3A_651 = arith.constant 2 : i32
      %dma_wait3A_652 = arith.constant 1 : i32
      %dma_wait3A_653 = arith.constant 2 : i32
      %dma_wait3A_654 = arith.constant 0 : i32
      %dma_wait3A_655 = arith.constant 0 : i32
      %dma_wait3A_656 = arith.constant 0 : i32
      %dma_wait3A_657 = tpu.memref_slice %arg7[%dma_wait3A_652, %dma_wait3A_654, %dma_wait3A_655, %dma_wait3A_656] : memref<2x4x200x64xf32, #tpu.memory_space<vmem>> -> memref<1x4x200x64xf32, #tpu.memory_space<vmem>>
      %dma_wait3A_658 = tpu.memref_squeeze %dma_wait3A_657 : memref<1x4x200x64xf32, #tpu.memory_space<vmem>> -> memref<4x200x64xf32, #tpu.memory_space<vmem>>
      %dma_wait3A_659 = arith.constant 0 : i32
      %dma_wait3A_660 = arith.constant 0 : i32
      %dma_wait3A_661 = tpu.memref_slice %dma_wait3A_658[%dma_wait3A_653, %dma_wait3A_659, %dma_wait3A_660] : memref<4x200x64xf32, #tpu.memory_space<vmem>> -> memref<1x200x64xf32, #tpu.memory_space<vmem>>
      %dma_wait3A_662 = tpu.memref_squeeze %dma_wait3A_661 : memref<1x200x64xf32, #tpu.memory_space<vmem>> -> memref<200x64xf32, #tpu.memory_space<vmem>>
      %dma_wait3A_663 = arith.constant 128 : i32
      %dma_wait3A_664 = arith.constant 0 : i32
      %dma_wait3A_665 = tpu.memref_slice %dma_wait3A_662[%dma_wait3A_663, %dma_wait3A_664] : memref<200x64xf32, #tpu.memory_space<vmem>> -> memref<72x64xf32, #tpu.memory_space<vmem>>
      %dma_wait3A_666 = arith.constant 0 : i32
      %dma_wait3A_667 = arith.constant 0 : i32
      %dma_wait3A_668 = tpu.memref_slice %arg6[%dma_wait3A_650, %dma_wait3A_666, %dma_wait3A_667] : memref<2x4x200xi32, #tpu.memory_space<vmem>> -> memref<1x4x200xi32, #tpu.memory_space<vmem>>
      %dma_wait3A_669 = tpu.memref_squeeze %dma_wait3A_668 : memref<1x4x200xi32, #tpu.memory_space<vmem>> -> memref<4x200xi32, #tpu.memory_space<vmem>>
      %dma_wait3A_670 = arith.constant 0 : i32
      %dma_wait3A_671 = tpu.memref_slice %dma_wait3A_669[%dma_wait3A_651, %dma_wait3A_670] : memref<4x200xi32, #tpu.memory_space<vmem>> -> memref<1x200xi32, #tpu.memory_space<vmem>>
      %dma_wait3A_672 = tpu.memref_squeeze %dma_wait3A_671 : memref<1x200xi32, #tpu.memory_space<vmem>> -> memref<200xi32, #tpu.memory_space<vmem>>
      %dma_wait3A_673 = arith.constant 128 : i32
      %dma_wait3A_674 = tpu.memref_slice %dma_wait3A_672[%dma_wait3A_673] : memref<200xi32, #tpu.memory_space<vmem>> -> memref<72xi32, #tpu.memory_space<vmem>>
      %dma_wait3A_675 = arith.constant 0 : i32
      %dma_wait3A_676 = arith.constant 0 : i32
      %dma_wait3A_677 = tpu.memref_slice %arg5[%dma_wait3A_675, %dma_wait3A_676] : memref<1000x64xf32, #tpu.memory_space<vmem_shared>> -> memref<1000x64xf32, #tpu.memory_space<vmem_shared>>
      tpu.wait_indirect_dma semaphore(%arg8 : memref<!tpu.dma_semaphore, #tpu.memory_space<semaphore_mem>>) src(%dma_wait3A_677 : memref<1000x64xf32, #tpu.memory_space<vmem_shared>>) dst(%dma_wait3A_665 : memref<72x64xf32, #tpu.memory_space<vmem>>)
      %dma_wait3A_678 = arith.constant 1 : i32
      %dma_wait3A_679 = arith.constant 3 : i32
      %dma_wait3A_680 = arith.constant 1 : i32
      %dma_wait3A_681 = arith.constant 3 : i32
      %dma_wait3A_682 = arith.constant 0 : i32
      %dma_wait3A_683 = arith.constant 0 : i32
      %dma_wait3A_684 = arith.constant 0 : i32
      %dma_wait3A_685 = tpu.memref_slice %arg7[%dma_wait3A_680, %dma_wait3A_682, %dma_wait3A_683, %dma_wait3A_684] : memref<2x4x200x64xf32, #tpu.memory_space<vmem>> -> memref<1x4x200x64xf32, #tpu.memory_space<vmem>>
      %dma_wait3A_686 = tpu.memref_squeeze %dma_wait3A_685 : memref<1x4x200x64xf32, #tpu.memory_space<vmem>> -> memref<4x200x64xf32, #tpu.memory_space<vmem>>
      %dma_wait3A_687 = arith.constant 0 : i32
      %dma_wait3A_688 = arith.constant 0 : i32
      %dma_wait3A_689 = tpu.memref_slice %dma_wait3A_686[%dma_wait3A_681, %dma_wait3A_687, %dma_wait3A_688] : memref<4x200x64xf32, #tpu.memory_space<vmem>> -> memref<1x200x64xf32, #tpu.memory_space<vmem>>
      %dma_wait3A_690 = tpu.memref_squeeze %dma_wait3A_689 : memref<1x200x64xf32, #tpu.memory_space<vmem>> -> memref<200x64xf32, #tpu.memory_space<vmem>>
      %dma_wait3A_691 = arith.constant 0 : i32
      %dma_wait3A_692 = arith.constant 0 : i32
      %dma_wait3A_693 = tpu.memref_slice %dma_wait3A_690[%dma_wait3A_691, %dma_wait3A_692] : memref<200x64xf32, #tpu.memory_space<vmem>> -> memref<128x64xf32, #tpu.memory_space<vmem>>
      %dma_wait3A_694 = arith.constant 0 : i32
      %dma_wait3A_695 = arith.constant 0 : i32
      %dma_wait3A_696 = tpu.memref_slice %arg6[%dma_wait3A_678, %dma_wait3A_694, %dma_wait3A_695] : memref<2x4x200xi32, #tpu.memory_space<vmem>> -> memref<1x4x200xi32, #tpu.memory_space<vmem>>
      %dma_wait3A_697 = tpu.memref_squeeze %dma_wait3A_696 : memref<1x4x200xi32, #tpu.memory_space<vmem>> -> memref<4x200xi32, #tpu.memory_space<vmem>>
      %dma_wait3A_698 = arith.constant 0 : i32
      %dma_wait3A_699 = tpu.memref_slice %dma_wait3A_697[%dma_wait3A_679, %dma_wait3A_698] : memref<4x200xi32, #tpu.memory_space<vmem>> -> memref<1x200xi32, #tpu.memory_space<vmem>>
      %dma_wait3A_700 = tpu.memref_squeeze %dma_wait3A_699 : memref<1x200xi32, #tpu.memory_space<vmem>> -> memref<200xi32, #tpu.memory_space<vmem>>
      %dma_wait3A_701 = arith.constant 0 : i32
      %dma_wait3A_702 = tpu.memref_slice %dma_wait3A_700[%dma_wait3A_701] : memref<200xi32, #tpu.memory_space<vmem>> -> memref<128xi32, #tpu.memory_space<vmem>>
      %dma_wait3A_703 = arith.constant 0 : i32
      %dma_wait3A_704 = arith.constant 0 : i32
      %dma_wait3A_705 = tpu.memref_slice %arg5[%dma_wait3A_703, %dma_wait3A_704] : memref<1000x64xf32, #tpu.memory_space<vmem_shared>> -> memref<1000x64xf32, #tpu.memory_space<vmem_shared>>
      tpu.wait_indirect_dma semaphore(%arg8 : memref<!tpu.dma_semaphore, #tpu.memory_space<semaphore_mem>>) src(%dma_wait3A_705 : memref<1000x64xf32, #tpu.memory_space<vmem_shared>>) dst(%dma_wait3A_693 : memref<128x64xf32, #tpu.memory_space<vmem>>)
      %dma_wait3A_706 = arith.constant 1 : i32
      %dma_wait3A_707 = arith.constant 3 : i32
      %dma_wait3A_708 = arith.constant 1 : i32
      %dma_wait3A_709 = arith.constant 3 : i32
      %dma_wait3A_710 = arith.constant 0 : i32
      %dma_wait3A_711 = arith.constant 0 : i32
      %dma_wait3A_712 = arith.constant 0 : i32
      %dma_wait3A_713 = tpu.memref_slice %arg7[%dma_wait3A_708, %dma_wait3A_710, %dma_wait3A_711, %dma_wait3A_712] : memref<2x4x200x64xf32, #tpu.memory_space<vmem>> -> memref<1x4x200x64xf32, #tpu.memory_space<vmem>>
      %dma_wait3A_714 = tpu.memref_squeeze %dma_wait3A_713 : memref<1x4x200x64xf32, #tpu.memory_space<vmem>> -> memref<4x200x64xf32, #tpu.memory_space<vmem>>
      %dma_wait3A_715 = arith.constant 0 : i32
      %dma_wait3A_716 = arith.constant 0 : i32
      %dma_wait3A_717 = tpu.memref_slice %dma_wait3A_714[%dma_wait3A_709, %dma_wait3A_715, %dma_wait3A_716] : memref<4x200x64xf32, #tpu.memory_space<vmem>> -> memref<1x200x64xf32, #tpu.memory_space<vmem>>
      %dma_wait3A_718 = tpu.memref_squeeze %dma_wait3A_717 : memref<1x200x64xf32, #tpu.memory_space<vmem>> -> memref<200x64xf32, #tpu.memory_space<vmem>>
      %dma_wait3A_719 = arith.constant 128 : i32
      %dma_wait3A_720 = arith.constant 0 : i32
      %dma_wait3A_721 = tpu.memref_slice %dma_wait3A_718[%dma_wait3A_719, %dma_wait3A_720] : memref<200x64xf32, #tpu.memory_space<vmem>> -> memref<72x64xf32, #tpu.memory_space<vmem>>
      %dma_wait3A_722 = arith.constant 0 : i32
      %dma_wait3A_723 = arith.constant 0 : i32
      %dma_wait3A_724 = tpu.memref_slice %arg6[%dma_wait3A_706, %dma_wait3A_722, %dma_wait3A_723] : memref<2x4x200xi32, #tpu.memory_space<vmem>> -> memref<1x4x200xi32, #tpu.memory_space<vmem>>
      %dma_wait3A_725 = tpu.memref_squeeze %dma_wait3A_724 : memref<1x4x200xi32, #tpu.memory_space<vmem>> -> memref<4x200xi32, #tpu.memory_space<vmem>>
      %dma_wait3A_726 = arith.constant 0 : i32
      %dma_wait3A_727 = tpu.memref_slice %dma_wait3A_725[%dma_wait3A_707, %dma_wait3A_726] : memref<4x200xi32, #tpu.memory_space<vmem>> -> memref<1x200xi32, #tpu.memory_space<vmem>>
      %dma_wait3A_728 = tpu.memref_squeeze %dma_wait3A_727 : memref<1x200xi32, #tpu.memory_space<vmem>> -> memref<200xi32, #tpu.memory_space<vmem>>
      %dma_wait3A_729 = arith.constant 128 : i32
      %dma_wait3A_730 = tpu.memref_slice %dma_wait3A_728[%dma_wait3A_729] : memref<200xi32, #tpu.memory_space<vmem>> -> memref<72xi32, #tpu.memory_space<vmem>>
      %dma_wait3A_731 = arith.constant 0 : i32
      %dma_wait3A_732 = arith.constant 0 : i32
      %dma_wait3A_733 = tpu.memref_slice %arg5[%dma_wait3A_731, %dma_wait3A_732] : memref<1000x64xf32, #tpu.memory_space<vmem_shared>> -> memref<1000x64xf32, #tpu.memory_space<vmem_shared>>
      tpu.wait_indirect_dma semaphore(%arg8 : memref<!tpu.dma_semaphore, #tpu.memory_space<semaphore_mem>>) src(%dma_wait3A_733 : memref<1000x64xf32, #tpu.memory_space<vmem_shared>>) dst(%dma_wait3A_721 : memref<72x64xf32, #tpu.memory_space<vmem>>)
      %mul3A_734 = arith.constant 4 : i32
      %mul3A_735 = arith.muli %add3A_509, %mul3A_734 : i32
      %add3A_736 = arith.addi %mul3A_2, %mul3A_735 : i32
      %dma_start3A_737 = arith.constant 1 : i32
      %dma_start3A_738 = arith.constant 0 : i32
      %dma_start3A_739 = arith.constant 0 : i32
      %dma_start3A_740 = arith.constant 0 : i32
      %dma_start3A_741 = tpu.memref_slice %arg7[%dma_start3A_737, %dma_start3A_738, %dma_start3A_739, %dma_start3A_740] : memref<2x4x200x64xf32, #tpu.memory_space<vmem>> -> memref<1x4x200x64xf32, #tpu.memory_space<vmem>>
      %dma_start3A_742 = tpu.memref_squeeze %dma_start3A_741 : memref<1x4x200x64xf32, #tpu.memory_space<vmem>> -> memref<4x200x64xf32, #tpu.memory_space<vmem>>
      %dma_start3A_743 = arith.constant 0 : i32
      %dma_start3A_744 = arith.constant 0 : i32
      %dma_start3A_745 = tpu.memref_slice %arg4[%add3A_736, %dma_start3A_743, %dma_start3A_744] : memref<16384x200x64xf32, #tpu.memory_space<hbm>> -> memref<4x200x64xf32, #tpu.memory_space<hbm>>
      %dma_start3A_746 = arith.constant 0 : i32
      %dma_start3A_747 = arith.constant 0 : i32
      %dma_start3A_748 = tpu.memref_slice %arg4[%add3A_736, %dma_start3A_746, %dma_start3A_747] : memref<16384x200x64xf32, #tpu.memory_space<hbm>> -> memref<4x200x64xf32, #tpu.memory_space<hbm>>
      %dma_start3A_749 = arith.constant 0 : i32
      %dma_start3A_750 = arith.constant 0 : i32
      %dma_start3A_751 = arith.constant 0 : i32
      %dma_start3A_752 = tpu.memref_slice %arg7[%dma_start3A_737, %dma_start3A_749, %dma_start3A_750, %dma_start3A_751] : memref<2x4x200x64xf32, #tpu.memory_space<vmem>> -> memref<1x4x200x64xf32, #tpu.memory_space<vmem>>
      %dma_start3A_753 = tpu.memref_squeeze %dma_start3A_752 : memref<1x4x200x64xf32, #tpu.memory_space<vmem>> -> memref<4x200x64xf32, #tpu.memory_space<vmem>>
      tpu.enqueue_dma source(%dma_start3A_753 : memref<4x200x64xf32, #tpu.memory_space<vmem>>) target(%dma_start3A_748 : memref<4x200x64xf32, #tpu.memory_space<hbm>>) target_semaphore(%arg9 : memref<!tpu.dma_semaphore, #tpu.memory_space<semaphore_mem>>)
      %ge3A_754 = arith.constant 1 : i32
      %ge3A_755 = arith.cmpi sge, %add3A_509, %ge3A_754 : i32
      %convert_element_type3A_756 = arith.extui %ge3A_755 : i1 to i32
      %cond3A_757 = arith.constant 0 : i32
      %cond3A_758 = arith.cmpi ne, %convert_element_type3A_756, %cond3A_757 : i32
      scf.if %cond3A_758 {
        %dma_wait3A_766 = arith.constant 0 : i32
        %dma_wait3A_767 = arith.constant 0 : i32
        %dma_wait3A_768 = arith.constant 0 : i32
        %dma_wait3A_769 = arith.constant 0 : i32
        %dma_wait3A_770 = tpu.memref_slice %arg7[%dma_wait3A_766, %dma_wait3A_767, %dma_wait3A_768, %dma_wait3A_769] : memref<2x4x200x64xf32, #tpu.memory_space<vmem>> -> memref<1x4x200x64xf32, #tpu.memory_space<vmem>>
        %dma_wait3A_771 = tpu.memref_squeeze %dma_wait3A_770 : memref<1x4x200x64xf32, #tpu.memory_space<vmem>> -> memref<4x200x64xf32, #tpu.memory_space<vmem>>
        %dma_wait3A_772 = arith.constant 0 : i32
        %dma_wait3A_773 = arith.constant 0 : i32
        %dma_wait3A_774 = arith.constant 0 : i32
        %dma_wait3A_775 = tpu.memref_slice %arg4[%dma_wait3A_772, %dma_wait3A_773, %dma_wait3A_774] : memref<16384x200x64xf32, #tpu.memory_space<hbm>> -> memref<4x200x64xf32, #tpu.memory_space<hbm>>
        %dma_wait3A_776 = arith.constant 0 : i32
        %dma_wait3A_777 = arith.constant 0 : i32
        %dma_wait3A_778 = arith.constant 0 : i32
        %dma_wait3A_779 = tpu.memref_slice %arg4[%dma_wait3A_776, %dma_wait3A_777, %dma_wait3A_778] : memref<16384x200x64xf32, #tpu.memory_space<hbm>> -> memref<4x200x64xf32, #tpu.memory_space<hbm>>
        %dma_wait3A_780 = arith.constant 0 : i32
        %dma_wait3A_781 = arith.constant 0 : i32
        %dma_wait3A_782 = arith.constant 0 : i32
        %dma_wait3A_783 = tpu.memref_slice %arg7[%dma_wait3A_766, %dma_wait3A_780, %dma_wait3A_781, %dma_wait3A_782] : memref<2x4x200x64xf32, #tpu.memory_space<vmem>> -> memref<1x4x200x64xf32, #tpu.memory_space<vmem>>
        %dma_wait3A_784 = tpu.memref_squeeze %dma_wait3A_783 : memref<1x4x200x64xf32, #tpu.memory_space<vmem>> -> memref<4x200x64xf32, #tpu.memory_space<vmem>>
        tpu.wait_dma2 semaphore(%arg9 : memref<!tpu.dma_semaphore, #tpu.memory_space<semaphore_mem>>) src(%dma_wait3A_784 : memref<4x200x64xf32, #tpu.memory_space<vmem>>) dst(%dma_wait3A_779 : memref<4x200x64xf32, #tpu.memory_space<hbm>>)
      } else {
      }
      %add3A_759 = arith.constant 1 : i32
      %add3A_760 = arith.addi %add3A_509, %add3A_759 : i32
      %lt3A_761 = arith.constant 128 : i32
      %lt3A_762 = arith.cmpi slt, %add3A_760, %lt3A_761 : i32
      %convert_element_type3A_763 = arith.extui %lt3A_762 : i1 to i32
      %cond3A_764 = arith.constant 0 : i32
      %cond3A_765 = arith.cmpi ne, %convert_element_type3A_763, %cond3A_764 : i32
      scf.if %cond3A_765 {
        %add3A_766 = arith.constant 1 : i32
        %add3A_767 = arith.addi %add3A_509, %add3A_766 : i32
        %mul3A_768 = arith.constant 4 : i32
        %mul3A_769 = arith.muli %add3A_767, %mul3A_768 : i32
        %add3A_770 = arith.addi %mul3A_2, %mul3A_769 : i32
        %run_scoped3A_771 = arith.constant 0 : i32
        "tpu.region"() ({
          %run_scoped3A_996 = tpu.sem_alloc : memref<!tpu.dma_semaphore, #tpu.memory_space<semaphore_mem>>
          %dma_start3A_997 = arith.constant 0 : i32
          %dma_start3A_998 = arith.constant 0 : i32
          %dma_start3A_999 = tpu.memref_slice %arg6[%run_scoped3A_771, %dma_start3A_997, %dma_start3A_998] : memref<2x4x200xi32, #tpu.memory_space<vmem>> -> memref<1x4x200xi32, #tpu.memory_space<vmem>>
          %dma_start3A_1000 = tpu.memref_squeeze %dma_start3A_999 : memref<1x4x200xi32, #tpu.memory_space<vmem>> -> memref<4x200xi32, #tpu.memory_space<vmem>>
          %dma_start3A_1001 = arith.constant 0 : i32
          %dma_start3A_1002 = tpu.memref_slice %arg2[%add3A_770, %dma_start3A_1001] : memref<16384x200xi32, #tpu.memory_space<hbm>> -> memref<4x200xi32, #tpu.memory_space<hbm>>
          %dma_start3A_1003 = arith.constant 0 : i32
          %dma_start3A_1004 = arith.constant 0 : i32
          %dma_start3A_1005 = tpu.memref_slice %arg6[%run_scoped3A_771, %dma_start3A_1003, %dma_start3A_1004] : memref<2x4x200xi32, #tpu.memory_space<vmem>> -> memref<1x4x200xi32, #tpu.memory_space<vmem>>
          %dma_start3A_1006 = tpu.memref_squeeze %dma_start3A_1005 : memref<1x4x200xi32, #tpu.memory_space<vmem>> -> memref<4x200xi32, #tpu.memory_space<vmem>>
          %dma_start3A_1007 = arith.constant 0 : i32
          %dma_start3A_1008 = tpu.memref_slice %arg2[%add3A_770, %dma_start3A_1007] : memref<16384x200xi32, #tpu.memory_space<hbm>> -> memref<4x200xi32, #tpu.memory_space<hbm>>
          tpu.enqueue_dma source(%dma_start3A_1008 : memref<4x200xi32, #tpu.memory_space<hbm>>) target(%dma_start3A_1006 : memref<4x200xi32, #tpu.memory_space<vmem>>) target_semaphore(%run_scoped3A_996 : memref<!tpu.dma_semaphore, #tpu.memory_space<semaphore_mem>>)
          %dma_wait3A_1009 = arith.constant 0 : i32
          %dma_wait3A_1010 = arith.constant 0 : i32
          %dma_wait3A_1011 = tpu.memref_slice %arg6[%run_scoped3A_771, %dma_wait3A_1009, %dma_wait3A_1010] : memref<2x4x200xi32, #tpu.memory_space<vmem>> -> memref<1x4x200xi32, #tpu.memory_space<vmem>>
          %dma_wait3A_1012 = tpu.memref_squeeze %dma_wait3A_1011 : memref<1x4x200xi32, #tpu.memory_space<vmem>> -> memref<4x200xi32, #tpu.memory_space<vmem>>
          %dma_wait3A_1013 = arith.constant 0 : i32
          %dma_wait3A_1014 = tpu.memref_slice %arg2[%add3A_770, %dma_wait3A_1013] : memref<16384x200xi32, #tpu.memory_space<hbm>> -> memref<4x200xi32, #tpu.memory_space<hbm>>
          %dma_wait3A_1015 = arith.constant 0 : i32
          %dma_wait3A_1016 = arith.constant 0 : i32
          %dma_wait3A_1017 = tpu.memref_slice %arg6[%run_scoped3A_771, %dma_wait3A_1015, %dma_wait3A_1016] : memref<2x4x200xi32, #tpu.memory_space<vmem>> -> memref<1x4x200xi32, #tpu.memory_space<vmem>>
          %dma_wait3A_1018 = tpu.memref_squeeze %dma_wait3A_1017 : memref<1x4x200xi32, #tpu.memory_space<vmem>> -> memref<4x200xi32, #tpu.memory_space<vmem>>
          %dma_wait3A_1019 = arith.constant 0 : i32
          %dma_wait3A_1020 = tpu.memref_slice %arg2[%add3A_770, %dma_wait3A_1019] : memref<16384x200xi32, #tpu.memory_space<hbm>> -> memref<4x200xi32, #tpu.memory_space<hbm>>
          tpu.wait_dma2 semaphore(%run_scoped3A_996 : memref<!tpu.dma_semaphore, #tpu.memory_space<semaphore_mem>>) src(%dma_wait3A_1020 : memref<4x200xi32, #tpu.memory_space<hbm>>) dst(%dma_wait3A_1018 : memref<4x200xi32, #tpu.memory_space<vmem>>)
          tpu.yield
        }) : () -> ()
        %dma_start3A_772 = arith.constant 0 : i32
        %dma_start3A_773 = arith.constant 0 : i32
        %dma_start3A_774 = arith.constant 0 : i32
        %dma_start3A_775 = arith.constant 0 : i32
        %dma_start3A_776 = arith.constant 0 : i32
        %dma_start3A_777 = arith.constant 0 : i32
        %dma_start3A_778 = arith.constant 0 : i32
        %dma_start3A_779 = tpu.memref_slice %arg7[%dma_start3A_774, %dma_start3A_776, %dma_start3A_777, %dma_start3A_778] : memref<2x4x200x64xf32, #tpu.memory_space<vmem>> -> memref<1x4x200x64xf32, #tpu.memory_space<vmem>>
        %dma_start3A_780 = tpu.memref_squeeze %dma_start3A_779 : memref<1x4x200x64xf32, #tpu.memory_space<vmem>> -> memref<4x200x64xf32, #tpu.memory_space<vmem>>
        %dma_start3A_781 = arith.constant 0 : i32
        %dma_start3A_782 = arith.constant 0 : i32
        %dma_start3A_783 = tpu.memref_slice %dma_start3A_780[%dma_start3A_775, %dma_start3A_781, %dma_start3A_782] : memref<4x200x64xf32, #tpu.memory_space<vmem>> -> memref<1x200x64xf32, #tpu.memory_space<vmem>>
        %dma_start3A_784 = tpu.memref_squeeze %dma_start3A_783 : memref<1x200x64xf32, #tpu.memory_space<vmem>> -> memref<200x64xf32, #tpu.memory_space<vmem>>
        %dma_start3A_785 = arith.constant 0 : i32
        %dma_start3A_786 = arith.constant 0 : i32
        %dma_start3A_787 = tpu.memref_slice %dma_start3A_784[%dma_start3A_785, %dma_start3A_786] : memref<200x64xf32, #tpu.memory_space<vmem>> -> memref<128x64xf32, #tpu.memory_space<vmem>>
        %dma_start3A_788 = arith.constant 0 : i32
        %dma_start3A_789 = arith.constant 0 : i32
        %dma_start3A_790 = tpu.memref_slice %arg6[%dma_start3A_772, %dma_start3A_788, %dma_start3A_789] : memref<2x4x200xi32, #tpu.memory_space<vmem>> -> memref<1x4x200xi32, #tpu.memory_space<vmem>>
        %dma_start3A_791 = tpu.memref_squeeze %dma_start3A_790 : memref<1x4x200xi32, #tpu.memory_space<vmem>> -> memref<4x200xi32, #tpu.memory_space<vmem>>
        %dma_start3A_792 = arith.constant 0 : i32
        %dma_start3A_793 = tpu.memref_slice %dma_start3A_791[%dma_start3A_773, %dma_start3A_792] : memref<4x200xi32, #tpu.memory_space<vmem>> -> memref<1x200xi32, #tpu.memory_space<vmem>>
        %dma_start3A_794 = tpu.memref_squeeze %dma_start3A_793 : memref<1x200xi32, #tpu.memory_space<vmem>> -> memref<200xi32, #tpu.memory_space<vmem>>
        %dma_start3A_795 = arith.constant 0 : i32
        %dma_start3A_796 = tpu.memref_slice %dma_start3A_794[%dma_start3A_795] : memref<200xi32, #tpu.memory_space<vmem>> -> memref<128xi32, #tpu.memory_space<vmem>>
        %dma_start3A_797 = arith.constant 0 : i32
        %dma_start3A_798 = arith.constant 0 : i32
        %dma_start3A_799 = tpu.memref_slice %arg5[%dma_start3A_797, %dma_start3A_798] : memref<1000x64xf32, #tpu.memory_space<vmem_shared>> -> memref<1000x64xf32, #tpu.memory_space<vmem_shared>>
        tpu.enqueue_indirect_dma source(%dma_start3A_799 : memref<1000x64xf32, #tpu.memory_space<vmem_shared>>) target(%dma_start3A_787 : memref<128x64xf32, #tpu.memory_space<vmem>>) offsets(%dma_start3A_796 : memref<128xi32, #tpu.memory_space<vmem>>) semaphore(%arg8 : memref<!tpu.dma_semaphore, #tpu.memory_space<semaphore_mem>>)
        %dma_start3A_800 = arith.constant 0 : i32
        %dma_start3A_801 = arith.constant 0 : i32
        %dma_start3A_802 = arith.constant 0 : i32
        %dma_start3A_803 = arith.constant 0 : i32
        %dma_start3A_804 = arith.constant 0 : i32
        %dma_start3A_805 = arith.constant 0 : i32
        %dma_start3A_806 = arith.constant 0 : i32
        %dma_start3A_807 = tpu.memref_slice %arg7[%dma_start3A_802, %dma_start3A_804, %dma_start3A_805, %dma_start3A_806] : memref<2x4x200x64xf32, #tpu.memory_space<vmem>> -> memref<1x4x200x64xf32, #tpu.memory_space<vmem>>
        %dma_start3A_808 = tpu.memref_squeeze %dma_start3A_807 : memref<1x4x200x64xf32, #tpu.memory_space<vmem>> -> memref<4x200x64xf32, #tpu.memory_space<vmem>>
        %dma_start3A_809 = arith.constant 0 : i32
        %dma_start3A_810 = arith.constant 0 : i32
        %dma_start3A_811 = tpu.memref_slice %dma_start3A_808[%dma_start3A_803, %dma_start3A_809, %dma_start3A_810] : memref<4x200x64xf32, #tpu.memory_space<vmem>> -> memref<1x200x64xf32, #tpu.memory_space<vmem>>
        %dma_start3A_812 = tpu.memref_squeeze %dma_start3A_811 : memref<1x200x64xf32, #tpu.memory_space<vmem>> -> memref<200x64xf32, #tpu.memory_space<vmem>>
        %dma_start3A_813 = arith.constant 128 : i32
        %dma_start3A_814 = arith.constant 0 : i32
        %dma_start3A_815 = tpu.memref_slice %dma_start3A_812[%dma_start3A_813, %dma_start3A_814] : memref<200x64xf32, #tpu.memory_space<vmem>> -> memref<72x64xf32, #tpu.memory_space<vmem>>
        %dma_start3A_816 = arith.constant 0 : i32
        %dma_start3A_817 = arith.constant 0 : i32
        %dma_start3A_818 = tpu.memref_slice %arg6[%dma_start3A_800, %dma_start3A_816, %dma_start3A_817] : memref<2x4x200xi32, #tpu.memory_space<vmem>> -> memref<1x4x200xi32, #tpu.memory_space<vmem>>
        %dma_start3A_819 = tpu.memref_squeeze %dma_start3A_818 : memref<1x4x200xi32, #tpu.memory_space<vmem>> -> memref<4x200xi32, #tpu.memory_space<vmem>>
        %dma_start3A_820 = arith.constant 0 : i32
        %dma_start3A_821 = tpu.memref_slice %dma_start3A_819[%dma_start3A_801, %dma_start3A_820] : memref<4x200xi32, #tpu.memory_space<vmem>> -> memref<1x200xi32, #tpu.memory_space<vmem>>
        %dma_start3A_822 = tpu.memref_squeeze %dma_start3A_821 : memref<1x200xi32, #tpu.memory_space<vmem>> -> memref<200xi32, #tpu.memory_space<vmem>>
        %dma_start3A_823 = arith.constant 128 : i32
        %dma_start3A_824 = tpu.memref_slice %dma_start3A_822[%dma_start3A_823] : memref<200xi32, #tpu.memory_space<vmem>> -> memref<72xi32, #tpu.memory_space<vmem>>
        %dma_start3A_825 = arith.constant 0 : i32
        %dma_start3A_826 = arith.constant 0 : i32
        %dma_start3A_827 = tpu.memref_slice %arg5[%dma_start3A_825, %dma_start3A_826] : memref<1000x64xf32, #tpu.memory_space<vmem_shared>> -> memref<1000x64xf32, #tpu.memory_space<vmem_shared>>
        tpu.enqueue_indirect_dma source(%dma_start3A_827 : memref<1000x64xf32, #tpu.memory_space<vmem_shared>>) target(%dma_start3A_815 : memref<72x64xf32, #tpu.memory_space<vmem>>) offsets(%dma_start3A_824 : memref<72xi32, #tpu.memory_space<vmem>>) semaphore(%arg8 : memref<!tpu.dma_semaphore, #tpu.memory_space<semaphore_mem>>)
        %dma_start3A_828 = arith.constant 0 : i32
        %dma_start3A_829 = arith.constant 1 : i32
        %dma_start3A_830 = arith.constant 0 : i32
        %dma_start3A_831 = arith.constant 1 : i32
        %dma_start3A_832 = arith.constant 0 : i32
        %dma_start3A_833 = arith.constant 0 : i32
        %dma_start3A_834 = arith.constant 0 : i32
        %dma_start3A_835 = tpu.memref_slice %arg7[%dma_start3A_830, %dma_start3A_832, %dma_start3A_833, %dma_start3A_834] : memref<2x4x200x64xf32, #tpu.memory_space<vmem>> -> memref<1x4x200x64xf32, #tpu.memory_space<vmem>>
        %dma_start3A_836 = tpu.memref_squeeze %dma_start3A_835 : memref<1x4x200x64xf32, #tpu.memory_space<vmem>> -> memref<4x200x64xf32, #tpu.memory_space<vmem>>
        %dma_start3A_837 = arith.constant 0 : i32
        %dma_start3A_838 = arith.constant 0 : i32
        %dma_start3A_839 = tpu.memref_slice %dma_start3A_836[%dma_start3A_831, %dma_start3A_837, %dma_start3A_838] : memref<4x200x64xf32, #tpu.memory_space<vmem>> -> memref<1x200x64xf32, #tpu.memory_space<vmem>>
        %dma_start3A_840 = tpu.memref_squeeze %dma_start3A_839 : memref<1x200x64xf32, #tpu.memory_space<vmem>> -> memref<200x64xf32, #tpu.memory_space<vmem>>
        %dma_start3A_841 = arith.constant 0 : i32
        %dma_start3A_842 = arith.constant 0 : i32
        %dma_start3A_843 = tpu.memref_slice %dma_start3A_840[%dma_start3A_841, %dma_start3A_842] : memref<200x64xf32, #tpu.memory_space<vmem>> -> memref<128x64xf32, #tpu.memory_space<vmem>>
        %dma_start3A_844 = arith.constant 0 : i32
        %dma_start3A_845 = arith.constant 0 : i32
        %dma_start3A_846 = tpu.memref_slice %arg6[%dma_start3A_828, %dma_start3A_844, %dma_start3A_845] : memref<2x4x200xi32, #tpu.memory_space<vmem>> -> memref<1x4x200xi32, #tpu.memory_space<vmem>>
        %dma_start3A_847 = tpu.memref_squeeze %dma_start3A_846 : memref<1x4x200xi32, #tpu.memory_space<vmem>> -> memref<4x200xi32, #tpu.memory_space<vmem>>
        %dma_start3A_848 = arith.constant 0 : i32
        %dma_start3A_849 = tpu.memref_slice %dma_start3A_847[%dma_start3A_829, %dma_start3A_848] : memref<4x200xi32, #tpu.memory_space<vmem>> -> memref<1x200xi32, #tpu.memory_space<vmem>>
        %dma_start3A_850 = tpu.memref_squeeze %dma_start3A_849 : memref<1x200xi32, #tpu.memory_space<vmem>> -> memref<200xi32, #tpu.memory_space<vmem>>
        %dma_start3A_851 = arith.constant 0 : i32
        %dma_start3A_852 = tpu.memref_slice %dma_start3A_850[%dma_start3A_851] : memref<200xi32, #tpu.memory_space<vmem>> -> memref<128xi32, #tpu.memory_space<vmem>>
        %dma_start3A_853 = arith.constant 0 : i32
        %dma_start3A_854 = arith.constant 0 : i32
        %dma_start3A_855 = tpu.memref_slice %arg5[%dma_start3A_853, %dma_start3A_854] : memref<1000x64xf32, #tpu.memory_space<vmem_shared>> -> memref<1000x64xf32, #tpu.memory_space<vmem_shared>>
        tpu.enqueue_indirect_dma source(%dma_start3A_855 : memref<1000x64xf32, #tpu.memory_space<vmem_shared>>) target(%dma_start3A_843 : memref<128x64xf32, #tpu.memory_space<vmem>>) offsets(%dma_start3A_852 : memref<128xi32, #tpu.memory_space<vmem>>) semaphore(%arg8 : memref<!tpu.dma_semaphore, #tpu.memory_space<semaphore_mem>>)
        %dma_start3A_856 = arith.constant 0 : i32
        %dma_start3A_857 = arith.constant 1 : i32
        %dma_start3A_858 = arith.constant 0 : i32
        %dma_start3A_859 = arith.constant 1 : i32
        %dma_start3A_860 = arith.constant 0 : i32
        %dma_start3A_861 = arith.constant 0 : i32
        %dma_start3A_862 = arith.constant 0 : i32
        %dma_start3A_863 = tpu.memref_slice %arg7[%dma_start3A_858, %dma_start3A_860, %dma_start3A_861, %dma_start3A_862] : memref<2x4x200x64xf32, #tpu.memory_space<vmem>> -> memref<1x4x200x64xf32, #tpu.memory_space<vmem>>
        %dma_start3A_864 = tpu.memref_squeeze %dma_start3A_863 : memref<1x4x200x64xf32, #tpu.memory_space<vmem>> -> memref<4x200x64xf32, #tpu.memory_space<vmem>>
        %dma_start3A_865 = arith.constant 0 : i32
        %dma_start3A_866 = arith.constant 0 : i32
        %dma_start3A_867 = tpu.memref_slice %dma_start3A_864[%dma_start3A_859, %dma_start3A_865, %dma_start3A_866] : memref<4x200x64xf32, #tpu.memory_space<vmem>> -> memref<1x200x64xf32, #tpu.memory_space<vmem>>
        %dma_start3A_868 = tpu.memref_squeeze %dma_start3A_867 : memref<1x200x64xf32, #tpu.memory_space<vmem>> -> memref<200x64xf32, #tpu.memory_space<vmem>>
        %dma_start3A_869 = arith.constant 128 : i32
        %dma_start3A_870 = arith.constant 0 : i32
        %dma_start3A_871 = tpu.memref_slice %dma_start3A_868[%dma_start3A_869, %dma_start3A_870] : memref<200x64xf32, #tpu.memory_space<vmem>> -> memref<72x64xf32, #tpu.memory_space<vmem>>
        %dma_start3A_872 = arith.constant 0 : i32
        %dma_start3A_873 = arith.constant 0 : i32
        %dma_start3A_874 = tpu.memref_slice %arg6[%dma_start3A_856, %dma_start3A_872, %dma_start3A_873] : memref<2x4x200xi32, #tpu.memory_space<vmem>> -> memref<1x4x200xi32, #tpu.memory_space<vmem>>
        %dma_start3A_875 = tpu.memref_squeeze %dma_start3A_874 : memref<1x4x200xi32, #tpu.memory_space<vmem>> -> memref<4x200xi32, #tpu.memory_space<vmem>>
        %dma_start3A_876 = arith.constant 0 : i32
        %dma_start3A_877 = tpu.memref_slice %dma_start3A_875[%dma_start3A_857, %dma_start3A_876] : memref<4x200xi32, #tpu.memory_space<vmem>> -> memref<1x200xi32, #tpu.memory_space<vmem>>
        %dma_start3A_878 = tpu.memref_squeeze %dma_start3A_877 : memref<1x200xi32, #tpu.memory_space<vmem>> -> memref<200xi32, #tpu.memory_space<vmem>>
        %dma_start3A_879 = arith.constant 128 : i32
        %dma_start3A_880 = tpu.memref_slice %dma_start3A_878[%dma_start3A_879] : memref<200xi32, #tpu.memory_space<vmem>> -> memref<72xi32, #tpu.memory_space<vmem>>
        %dma_start3A_881 = arith.constant 0 : i32
        %dma_start3A_882 = arith.constant 0 : i32
        %dma_start3A_883 = tpu.memref_slice %arg5[%dma_start3A_881, %dma_start3A_882] : memref<1000x64xf32, #tpu.memory_space<vmem_shared>> -> memref<1000x64xf32, #tpu.memory_space<vmem_shared>>
        tpu.enqueue_indirect_dma source(%dma_start3A_883 : memref<1000x64xf32, #tpu.memory_space<vmem_shared>>) target(%dma_start3A_871 : memref<72x64xf32, #tpu.memory_space<vmem>>) offsets(%dma_start3A_880 : memref<72xi32, #tpu.memory_space<vmem>>) semaphore(%arg8 : memref<!tpu.dma_semaphore, #tpu.memory_space<semaphore_mem>>)
        %dma_start3A_884 = arith.constant 0 : i32
        %dma_start3A_885 = arith.constant 2 : i32
        %dma_start3A_886 = arith.constant 0 : i32
        %dma_start3A_887 = arith.constant 2 : i32
        %dma_start3A_888 = arith.constant 0 : i32
        %dma_start3A_889 = arith.constant 0 : i32
        %dma_start3A_890 = arith.constant 0 : i32
        %dma_start3A_891 = tpu.memref_slice %arg7[%dma_start3A_886, %dma_start3A_888, %dma_start3A_889, %dma_start3A_890] : memref<2x4x200x64xf32, #tpu.memory_space<vmem>> -> memref<1x4x200x64xf32, #tpu.memory_space<vmem>>
        %dma_start3A_892 = tpu.memref_squeeze %dma_start3A_891 : memref<1x4x200x64xf32, #tpu.memory_space<vmem>> -> memref<4x200x64xf32, #tpu.memory_space<vmem>>
        %dma_start3A_893 = arith.constant 0 : i32
        %dma_start3A_894 = arith.constant 0 : i32
        %dma_start3A_895 = tpu.memref_slice %dma_start3A_892[%dma_start3A_887, %dma_start3A_893, %dma_start3A_894] : memref<4x200x64xf32, #tpu.memory_space<vmem>> -> memref<1x200x64xf32, #tpu.memory_space<vmem>>
        %dma_start3A_896 = tpu.memref_squeeze %dma_start3A_895 : memref<1x200x64xf32, #tpu.memory_space<vmem>> -> memref<200x64xf32, #tpu.memory_space<vmem>>
        %dma_start3A_897 = arith.constant 0 : i32
        %dma_start3A_898 = arith.constant 0 : i32
        %dma_start3A_899 = tpu.memref_slice %dma_start3A_896[%dma_start3A_897, %dma_start3A_898] : memref<200x64xf32, #tpu.memory_space<vmem>> -> memref<128x64xf32, #tpu.memory_space<vmem>>
        %dma_start3A_900 = arith.constant 0 : i32
        %dma_start3A_901 = arith.constant 0 : i32
        %dma_start3A_902 = tpu.memref_slice %arg6[%dma_start3A_884, %dma_start3A_900, %dma_start3A_901] : memref<2x4x200xi32, #tpu.memory_space<vmem>> -> memref<1x4x200xi32, #tpu.memory_space<vmem>>
        %dma_start3A_903 = tpu.memref_squeeze %dma_start3A_902 : memref<1x4x200xi32, #tpu.memory_space<vmem>> -> memref<4x200xi32, #tpu.memory_space<vmem>>
        %dma_start3A_904 = arith.constant 0 : i32
        %dma_start3A_905 = tpu.memref_slice %dma_start3A_903[%dma_start3A_885, %dma_start3A_904] : memref<4x200xi32, #tpu.memory_space<vmem>> -> memref<1x200xi32, #tpu.memory_space<vmem>>
        %dma_start3A_906 = tpu.memref_squeeze %dma_start3A_905 : memref<1x200xi32, #tpu.memory_space<vmem>> -> memref<200xi32, #tpu.memory_space<vmem>>
        %dma_start3A_907 = arith.constant 0 : i32
        %dma_start3A_908 = tpu.memref_slice %dma_start3A_906[%dma_start3A_907] : memref<200xi32, #tpu.memory_space<vmem>> -> memref<128xi32, #tpu.memory_space<vmem>>
        %dma_start3A_909 = arith.constant 0 : i32
        %dma_start3A_910 = arith.constant 0 : i32
        %dma_start3A_911 = tpu.memref_slice %arg5[%dma_start3A_909, %dma_start3A_910] : memref<1000x64xf32, #tpu.memory_space<vmem_shared>> -> memref<1000x64xf32, #tpu.memory_space<vmem_shared>>
        tpu.enqueue_indirect_dma source(%dma_start3A_911 : memref<1000x64xf32, #tpu.memory_space<vmem_shared>>) target(%dma_start3A_899 : memref<128x64xf32, #tpu.memory_space<vmem>>) offsets(%dma_start3A_908 : memref<128xi32, #tpu.memory_space<vmem>>) semaphore(%arg8 : memref<!tpu.dma_semaphore, #tpu.memory_space<semaphore_mem>>)
        %dma_start3A_912 = arith.constant 0 : i32
        %dma_start3A_913 = arith.constant 2 : i32
        %dma_start3A_914 = arith.constant 0 : i32
        %dma_start3A_915 = arith.constant 2 : i32
        %dma_start3A_916 = arith.constant 0 : i32
        %dma_start3A_917 = arith.constant 0 : i32
        %dma_start3A_918 = arith.constant 0 : i32
        %dma_start3A_919 = tpu.memref_slice %arg7[%dma_start3A_914, %dma_start3A_916, %dma_start3A_917, %dma_start3A_918] : memref<2x4x200x64xf32, #tpu.memory_space<vmem>> -> memref<1x4x200x64xf32, #tpu.memory_space<vmem>>
        %dma_start3A_920 = tpu.memref_squeeze %dma_start3A_919 : memref<1x4x200x64xf32, #tpu.memory_space<vmem>> -> memref<4x200x64xf32, #tpu.memory_space<vmem>>
        %dma_start3A_921 = arith.constant 0 : i32
        %dma_start3A_922 = arith.constant 0 : i32
        %dma_start3A_923 = tpu.memref_slice %dma_start3A_920[%dma_start3A_915, %dma_start3A_921, %dma_start3A_922] : memref<4x200x64xf32, #tpu.memory_space<vmem>> -> memref<1x200x64xf32, #tpu.memory_space<vmem>>
        %dma_start3A_924 = tpu.memref_squeeze %dma_start3A_923 : memref<1x200x64xf32, #tpu.memory_space<vmem>> -> memref<200x64xf32, #tpu.memory_space<vmem>>
        %dma_start3A_925 = arith.constant 128 : i32
        %dma_start3A_926 = arith.constant 0 : i32
        %dma_start3A_927 = tpu.memref_slice %dma_start3A_924[%dma_start3A_925, %dma_start3A_926] : memref<200x64xf32, #tpu.memory_space<vmem>> -> memref<72x64xf32, #tpu.memory_space<vmem>>
        %dma_start3A_928 = arith.constant 0 : i32
        %dma_start3A_929 = arith.constant 0 : i32
        %dma_start3A_930 = tpu.memref_slice %arg6[%dma_start3A_912, %dma_start3A_928, %dma_start3A_929] : memref<2x4x200xi32, #tpu.memory_space<vmem>> -> memref<1x4x200xi32, #tpu.memory_space<vmem>>
        %dma_start3A_931 = tpu.memref_squeeze %dma_start3A_930 : memref<1x4x200xi32, #tpu.memory_space<vmem>> -> memref<4x200xi32, #tpu.memory_space<vmem>>
        %dma_start3A_932 = arith.constant 0 : i32
        %dma_start3A_933 = tpu.memref_slice %dma_start3A_931[%dma_start3A_913, %dma_start3A_932] : memref<4x200xi32, #tpu.memory_space<vmem>> -> memref<1x200xi32, #tpu.memory_space<vmem>>
        %dma_start3A_934 = tpu.memref_squeeze %dma_start3A_933 : memref<1x200xi32, #tpu.memory_space<vmem>> -> memref<200xi32, #tpu.memory_space<vmem>>
        %dma_start3A_935 = arith.constant 128 : i32
        %dma_start3A_936 = tpu.memref_slice %dma_start3A_934[%dma_start3A_935] : memref<200xi32, #tpu.memory_space<vmem>> -> memref<72xi32, #tpu.memory_space<vmem>>
        %dma_start3A_937 = arith.constant 0 : i32
        %dma_start3A_938 = arith.constant 0 : i32
        %dma_start3A_939 = tpu.memref_slice %arg5[%dma_start3A_937, %dma_start3A_938] : memref<1000x64xf32, #tpu.memory_space<vmem_shared>> -> memref<1000x64xf32, #tpu.memory_space<vmem_shared>>
        tpu.enqueue_indirect_dma source(%dma_start3A_939 : memref<1000x64xf32, #tpu.memory_space<vmem_shared>>) target(%dma_start3A_927 : memref<72x64xf32, #tpu.memory_space<vmem>>) offsets(%dma_start3A_936 : memref<72xi32, #tpu.memory_space<vmem>>) semaphore(%arg8 : memref<!tpu.dma_semaphore, #tpu.memory_space<semaphore_mem>>)
        %dma_start3A_940 = arith.constant 0 : i32
        %dma_start3A_941 = arith.constant 3 : i32
        %dma_start3A_942 = arith.constant 0 : i32
        %dma_start3A_943 = arith.constant 3 : i32
        %dma_start3A_944 = arith.constant 0 : i32
        %dma_start3A_945 = arith.constant 0 : i32
        %dma_start3A_946 = arith.constant 0 : i32
        %dma_start3A_947 = tpu.memref_slice %arg7[%dma_start3A_942, %dma_start3A_944, %dma_start3A_945, %dma_start3A_946] : memref<2x4x200x64xf32, #tpu.memory_space<vmem>> -> memref<1x4x200x64xf32, #tpu.memory_space<vmem>>
        %dma_start3A_948 = tpu.memref_squeeze %dma_start3A_947 : memref<1x4x200x64xf32, #tpu.memory_space<vmem>> -> memref<4x200x64xf32, #tpu.memory_space<vmem>>
        %dma_start3A_949 = arith.constant 0 : i32
        %dma_start3A_950 = arith.constant 0 : i32
        %dma_start3A_951 = tpu.memref_slice %dma_start3A_948[%dma_start3A_943, %dma_start3A_949, %dma_start3A_950] : memref<4x200x64xf32, #tpu.memory_space<vmem>> -> memref<1x200x64xf32, #tpu.memory_space<vmem>>
        %dma_start3A_952 = tpu.memref_squeeze %dma_start3A_951 : memref<1x200x64xf32, #tpu.memory_space<vmem>> -> memref<200x64xf32, #tpu.memory_space<vmem>>
        %dma_start3A_953 = arith.constant 0 : i32
        %dma_start3A_954 = arith.constant 0 : i32
        %dma_start3A_955 = tpu.memref_slice %dma_start3A_952[%dma_start3A_953, %dma_start3A_954] : memref<200x64xf32, #tpu.memory_space<vmem>> -> memref<128x64xf32, #tpu.memory_space<vmem>>
        %dma_start3A_956 = arith.constant 0 : i32
        %dma_start3A_957 = arith.constant 0 : i32
        %dma_start3A_958 = tpu.memref_slice %arg6[%dma_start3A_940, %dma_start3A_956, %dma_start3A_957] : memref<2x4x200xi32, #tpu.memory_space<vmem>> -> memref<1x4x200xi32, #tpu.memory_space<vmem>>
        %dma_start3A_959 = tpu.memref_squeeze %dma_start3A_958 : memref<1x4x200xi32, #tpu.memory_space<vmem>> -> memref<4x200xi32, #tpu.memory_space<vmem>>
        %dma_start3A_960 = arith.constant 0 : i32
        %dma_start3A_961 = tpu.memref_slice %dma_start3A_959[%dma_start3A_941, %dma_start3A_960] : memref<4x200xi32, #tpu.memory_space<vmem>> -> memref<1x200xi32, #tpu.memory_space<vmem>>
        %dma_start3A_962 = tpu.memref_squeeze %dma_start3A_961 : memref<1x200xi32, #tpu.memory_space<vmem>> -> memref<200xi32, #tpu.memory_space<vmem>>
        %dma_start3A_963 = arith.constant 0 : i32
        %dma_start3A_964 = tpu.memref_slice %dma_start3A_962[%dma_start3A_963] : memref<200xi32, #tpu.memory_space<vmem>> -> memref<128xi32, #tpu.memory_space<vmem>>
        %dma_start3A_965 = arith.constant 0 : i32
        %dma_start3A_966 = arith.constant 0 : i32
        %dma_start3A_967 = tpu.memref_slice %arg5[%dma_start3A_965, %dma_start3A_966] : memref<1000x64xf32, #tpu.memory_space<vmem_shared>> -> memref<1000x64xf32, #tpu.memory_space<vmem_shared>>
        tpu.enqueue_indirect_dma source(%dma_start3A_967 : memref<1000x64xf32, #tpu.memory_space<vmem_shared>>) target(%dma_start3A_955 : memref<128x64xf32, #tpu.memory_space<vmem>>) offsets(%dma_start3A_964 : memref<128xi32, #tpu.memory_space<vmem>>) semaphore(%arg8 : memref<!tpu.dma_semaphore, #tpu.memory_space<semaphore_mem>>)
        %dma_start3A_968 = arith.constant 0 : i32
        %dma_start3A_969 = arith.constant 3 : i32
        %dma_start3A_970 = arith.constant 0 : i32
        %dma_start3A_971 = arith.constant 3 : i32
        %dma_start3A_972 = arith.constant 0 : i32
        %dma_start3A_973 = arith.constant 0 : i32
        %dma_start3A_974 = arith.constant 0 : i32
        %dma_start3A_975 = tpu.memref_slice %arg7[%dma_start3A_970, %dma_start3A_972, %dma_start3A_973, %dma_start3A_974] : memref<2x4x200x64xf32, #tpu.memory_space<vmem>> -> memref<1x4x200x64xf32, #tpu.memory_space<vmem>>
        %dma_start3A_976 = tpu.memref_squeeze %dma_start3A_975 : memref<1x4x200x64xf32, #tpu.memory_space<vmem>> -> memref<4x200x64xf32, #tpu.memory_space<vmem>>
        %dma_start3A_977 = arith.constant 0 : i32
        %dma_start3A_978 = arith.constant 0 : i32
        %dma_start3A_979 = tpu.memref_slice %dma_start3A_976[%dma_start3A_971, %dma_start3A_977, %dma_start3A_978] : memref<4x200x64xf32, #tpu.memory_space<vmem>> -> memref<1x200x64xf32, #tpu.memory_space<vmem>>
        %dma_start3A_980 = tpu.memref_squeeze %dma_start3A_979 : memref<1x200x64xf32, #tpu.memory_space<vmem>> -> memref<200x64xf32, #tpu.memory_space<vmem>>
        %dma_start3A_981 = arith.constant 128 : i32
        %dma_start3A_982 = arith.constant 0 : i32
        %dma_start3A_983 = tpu.memref_slice %dma_start3A_980[%dma_start3A_981, %dma_start3A_982] : memref<200x64xf32, #tpu.memory_space<vmem>> -> memref<72x64xf32, #tpu.memory_space<vmem>>
        %dma_start3A_984 = arith.constant 0 : i32
        %dma_start3A_985 = arith.constant 0 : i32
        %dma_start3A_986 = tpu.memref_slice %arg6[%dma_start3A_968, %dma_start3A_984, %dma_start3A_985] : memref<2x4x200xi32, #tpu.memory_space<vmem>> -> memref<1x4x200xi32, #tpu.memory_space<vmem>>
        %dma_start3A_987 = tpu.memref_squeeze %dma_start3A_986 : memref<1x4x200xi32, #tpu.memory_space<vmem>> -> memref<4x200xi32, #tpu.memory_space<vmem>>
        %dma_start3A_988 = arith.constant 0 : i32
        %dma_start3A_989 = tpu.memref_slice %dma_start3A_987[%dma_start3A_969, %dma_start3A_988] : memref<4x200xi32, #tpu.memory_space<vmem>> -> memref<1x200xi32, #tpu.memory_space<vmem>>
        %dma_start3A_990 = tpu.memref_squeeze %dma_start3A_989 : memref<1x200xi32, #tpu.memory_space<vmem>> -> memref<200xi32, #tpu.memory_space<vmem>>
        %dma_start3A_991 = arith.constant 128 : i32
        %dma_start3A_992 = tpu.memref_slice %dma_start3A_990[%dma_start3A_991] : memref<200xi32, #tpu.memory_space<vmem>> -> memref<72xi32, #tpu.memory_space<vmem>>
        %dma_start3A_993 = arith.constant 0 : i32
        %dma_start3A_994 = arith.constant 0 : i32
        %dma_start3A_995 = tpu.memref_slice %arg5[%dma_start3A_993, %dma_start3A_994] : memref<1000x64xf32, #tpu.memory_space<vmem_shared>> -> memref<1000x64xf32, #tpu.memory_space<vmem_shared>>
        tpu.enqueue_indirect_dma source(%dma_start3A_995 : memref<1000x64xf32, #tpu.memory_space<vmem_shared>>) target(%dma_start3A_983 : memref<72x64xf32, #tpu.memory_space<vmem>>) offsets(%dma_start3A_992 : memref<72xi32, #tpu.memory_space<vmem>>) semaphore(%arg8 : memref<!tpu.dma_semaphore, #tpu.memory_space<semaphore_mem>>)
      } else {
      }
    }
    %scan3A_232 = arith.constant 64 : i32
    %dma_wait3A = arith.constant 1 : i32
    %dma_wait3A_233 = arith.constant 0 : i32
    %dma_wait3A_234 = arith.constant 0 : i32
    %dma_wait3A_235 = arith.constant 0 : i32
    %dma_wait3A_236 = tpu.memref_slice %arg7[%dma_wait3A, %dma_wait3A_233, %dma_wait3A_234, %dma_wait3A_235] : memref<2x4x200x64xf32, #tpu.memory_space<vmem>> -> memref<1x4x200x64xf32, #tpu.memory_space<vmem>>
    %dma_wait3A_237 = tpu.memref_squeeze %dma_wait3A_236 : memref<1x4x200x64xf32, #tpu.memory_space<vmem>> -> memref<4x200x64xf32, #tpu.memory_space<vmem>>
    %dma_wait3A_238 = arith.constant 0 : i32
    %dma_wait3A_239 = arith.constant 0 : i32
    %dma_wait3A_240 = arith.constant 0 : i32
    %dma_wait3A_241 = tpu.memref_slice %arg4[%dma_wait3A_238, %dma_wait3A_239, %dma_wait3A_240] : memref<16384x200x64xf32, #tpu.memory_space<hbm>> -> memref<4x200x64xf32, #tpu.memory_space<hbm>>
    %dma_wait3A_242 = arith.constant 0 : i32
    %dma_wait3A_243 = arith.constant 0 : i32
    %dma_wait3A_244 = arith.constant 0 : i32
    %dma_wait3A_245 = tpu.memref_slice %arg4[%dma_wait3A_242, %dma_wait3A_243, %dma_wait3A_244] : memref<16384x200x64xf32, #tpu.memory_space<hbm>> -> memref<4x200x64xf32, #tpu.memory_space<hbm>>
    %dma_wait3A_246 = arith.constant 0 : i32
    %dma_wait3A_247 = arith.constant 0 : i32
    %dma_wait3A_248 = arith.constant 0 : i32
    %dma_wait3A_249 = tpu.memref_slice %arg7[%dma_wait3A, %dma_wait3A_246, %dma_wait3A_247, %dma_wait3A_248] : memref<2x4x200x64xf32, #tpu.memory_space<vmem>> -> memref<1x4x200x64xf32, #tpu.memory_space<vmem>>
    %dma_wait3A_250 = tpu.memref_squeeze %dma_wait3A_249 : memref<1x4x200x64xf32, #tpu.memory_space<vmem>> -> memref<4x200x64xf32, #tpu.memory_space<vmem>>
    tpu.wait_dma2 semaphore(%arg9 : memref<!tpu.dma_semaphore, #tpu.memory_space<semaphore_mem>>) src(%dma_wait3A_250 : memref<4x200x64xf32, #tpu.memory_space<vmem>>) dst(%dma_wait3A_245 : memref<4x200x64xf32, #tpu.memory_space<hbm>>)
    return
  }
}

</mosaic_0001>

<sc_bundles>
// kernel: kernel.3.cloned.1.call-start
scs
__scs_entry_jumppad:
0x0: {  	(pc) =	sbr.rel $0x88, $3  }
0x1: {  	(tag) =	ssettag $0x0;
	lr =	simm.s32 $0x1  }
0x2: {  	[smem:$0x3F9F] =	sst lr;
	_ =	strace $0xD0000000  }
0x3: {  	_ = 	snop  }
0x4: {  	_ = 	snop  }
0x5: {  	_ = 	snop  }
0x6: {  	_ = 	snop  }
0x7: {  	_ = 	snop  }
__scs_overlays_trampoline_lowered:
0x8: {  	[smem:$0x3FAE] =	sst s0  }
0x9: {  	[smem:$0x3FAF] =	sst s1  }
0xa: {  	[smem:$0x3FB0] =	sst s2  }
0xb: {  	[smem:$0x3FB1] =	sst s3  }
0xc: {  	[smem:$0x3FB2] =	sst s4  }
0xd: {  	[smem:$0x3FB3] =	sst s5  }
0xe: {  	[smem:$0x3FB4] =	sst s6  }
0xf: {  	[smem:$0x3FB5] =	sst s7  }
0x10: {  	[smem:$0x3FB6] =	sst s8  }
0x11: {  	[smem:$0x3FB7] =	sst s9;
	s0 =	simm.s32 @!p0 $0x0  }
0x12: {  	s1 =	sld [smem:$0x3F9D];
	s0 =	simm.s32 @p0 $0x1  }
0x13: {  	[smem:$0x3FB8] =	sst s0;
	s0 =	simm.s32 @!p1 $0x0  }
0x14: {  	s2 =	sld [smem:$0x3F9C];
	s0 =	simm.s32 @p1 $0x1  }
0x15: {  	[smem:$0x3FB9] =	sst s0;
	s0 =	simm.s32 @!p2 $0x0  }
0x16: {  	s3 =	sld [smem:$0x3FDB];
	s0 =	simm.s32 @p2 $0x1  }
0x17: {  	s4 =	simm.s32 $0x1BF5;
	[smem:$0x3FBB] =	sst s0  }
0x18: {  	s0 =	sld [smem:$0x3F9E];
	_ =	swait.ge [sflag:s4], $0x0  }
0x19: {  	s7 =	sld [smem:$0x3F9F]  }
0x1a: {  	s8 =	sadd.s32 $0xFFFFE003, lr  }
0x1b: {  	s9 =	sadd.s32 $0xFFFFFEF7, lr;
	s5 =	simm.s32 $0xFFFFFFFF;
	p2 =	slt.u32 s8, $0xFFFFF086  }
0x1c: {  	p1 =	slt.u32 s9, $0xF7A;
	s5 =	simm.s32 @!p2 $0x0  }
0x1d: {  	s5 =	simm.s32 @p1 $0x1;
	p0 =	seq.s32 s7, s2  }
0x1e: {  	s7 =	smul.u32 @!p0 $0xF7A, s2;
	p2 =	seq.s32 @!p0 s5, $0x0  }
0x1f: {  	s9 =	smul.u32 $0xF7A, s1;
	s8 =	simm.s32 @!p0 $0x1BF5;
	p2 =	por !p2, p0  }
0x20: {  	[sflag:s8] =	ssyncset.s32 @!p0 $0xFFFFF086;
	s6 =	sadd.s32 @!p0 s3, s7;
	s7 =	simm.s32 @!p0 $0x108  }
0x21: {  	s3 =	sadd.s32 s3, s9;
	s6 =	sadd.s32 @!p0 $0x88, s6;
	s7 =	simm.s32 @p2 $0x1082  }
0x22: {  	[simem:s7], [sflag:s8] =	dma.local @!p0 [hbm:s6], $0xF7A  }
0x23: {  	s9 =	sor.u32 $0xD0000000, s2;
	s6 =	simm.s32 $0x108;
	_ =	swait.ge @!p0 [sflag:s8], $0x0  }
0x24: {  	s3 =	sadd.s32 $0x88, s3;
	s6 =	simm.s32 @!p1 $0x1082;
	[sflag:s4] =	ssyncset.s32 $0xFFFFF086  }
0x25: {  	[simem:s6], [sflag:s4] =	dma.local [hbm:s3], $0xF7A  }
0x26: {  	[smem:$0x3F9F] =	sst s1;
	(tag) =	ssettag s2;
	_ =	strace s9  }
0x27: {  	s1 =	sld [smem:$0x3FAF]  }
0x28: {  	s2 =	sld [smem:$0x3FB0]  }
0x29: {  	s4 =	sld [smem:$0x3FB2]  }
0x2a: {  	p0 =	seq.s32 s5, $0x0;
	s5 =	sld [smem:$0x3FB3]  }
0x2b: {  	s6 =	sld [smem:$0x3FB4]  }
0x2c: {  	s7 =	sld [smem:$0x3FB5]  }
0x2d: {  	s3 =	simm.s32 $0x108;
	s8 =	sld [smem:$0x3FB6]  }
0x2e: {  	s3 =	simm.s32 @!p0 $0x1082;
	s9 =	sld [smem:$0x3FB7]  }
0x2f: {  	lr =	sadd.s32 s0, s3;
	s0 =	sld [smem:$0x3FAE]  }
0x30: {  	s3 =	sld [smem:$0x3FB1]  }
0x31: {  	[smem:$0x3FBA] =	sst s10  }
0x32: {  	s10 =	sld [smem:$0x3FB8];
	_ =	sdelay $0x3  }
0x33: {  	p0 =	seq.s32 s10, $0x1;
	s10 =	sld [smem:$0x3FBA];
	_ =	sdelay $0x3  }
0x34: {  	[smem:$0x3FBA] =	sst s10  }
0x35: {  	s10 =	sld [smem:$0x3FB9];
	_ =	sdelay $0x3  }
0x36: {  	p1 =	seq.s32 s10, $0x1;
	s10 =	sld [smem:$0x3FBA];
	_ =	sdelay $0x3  }
0x37: {  	[smem:$0x3FBA] =	sst s10  }
0x38: {  	s10 =	sld [smem:$0x3FBB]  }
0x39: {  	_ = 	snop;
	(pc) =	sbr.ind lr, $3  }
0x3a: {  	_ = 	snop  }
0x3b: {  	_ = 	snop  }
0x3c: {  	p2 =	seq.s32 s10, $0x1;
	s10 =	sld [smem:$0x3FBA]  }
0x3d: {  	_ =	shalt  }
0x3e: {  	_ =	shalt  }
0x3f: {  	_ =	shalt  }
0x40: {  	_ =	shalt  }
0x41: {  	_ =	shalt  }
0x42: {  	_ =	shalt  }
0x43: {  	_ =	shalt  }
0x44: {  	_ =	shalt  }
0x45: {  	_ =	shalt  }
0x46: {  	_ =	shalt  }
0x47: {  	_ =	shalt  }
0x48: {  	_ =	shalt  }
0x49: {  	_ =	shalt  }
0x4a: {  	_ =	shalt  }
0x4b: {  	_ =	shalt  }
0x4c: {  	_ =	shalt  }
0x4d: {  	_ =	shalt  }
0x4e: {  	_ =	shalt  }
0x4f: {  	_ =	shalt  }
0x50: {  	_ =	shalt  }
0x51: {  	_ =	shalt  }
0x52: {  	_ =	shalt  }
0x53: {  	_ =	shalt  }
0x54: {  	_ =	shalt  }
0x55: {  	_ =	shalt  }
0x56: {  	_ =	shalt  }
0x57: {  	_ =	shalt  }
0x58: {  	_ =	shalt  }
0x59: {  	_ =	shalt  }
0x5a: {  	_ =	shalt  }
0x5b: {  	_ =	shalt  }
0x5c: {  	_ =	shalt  }
0x5d: {  	_ =	shalt  }
0x5e: {  	_ =	shalt  }
0x5f: {  	_ =	shalt  }
0x60: {  	_ =	shalt  }
0x61: {  	_ =	shalt  }
0x62: {  	_ =	shalt  }
0x63: {  	_ =	shalt  }
0x64: {  	_ =	shalt  }
0x65: {  	_ =	shalt  }
0x66: {  	_ =	shalt  }
0x67: {  	_ =	shalt  }
0x68: {  	_ =	shalt  }
0x69: {  	_ =	shalt  }
0x6a: {  	_ =	shalt  }
0x6b: {  	_ =	shalt  }
0x6c: {  	_ =	shalt  }
0x6d: {  	_ =	shalt  }
0x6e: {  	_ =	shalt  }
0x6f: {  	_ =	shalt  }
0x70: {  	_ =	shalt  }
0x71: {  	_ =	shalt  }
0x72: {  	_ =	shalt  }
0x73: {  	_ =	shalt  }
0x74: {  	_ =	shalt  }
0x75: {  	_ =	shalt  }
0x76: {  	_ =	shalt  }
0x77: {  	_ =	shalt  }
0x78: {  	_ =	shalt  }
0x79: {  	_ =	shalt  }
0x7a: {  	_ =	shalt  }
0x7b: {  	_ =	shalt  }
0x7c: {  	_ =	shalt  }
0x7d: {  	_ =	shalt  }
0x7e: {  	_ =	shalt  }
0x7f: {  	_ =	shalt  }
0x80: {  	_ =	shalt  }
0x81: {  	_ =	shalt  }
0x82: {  	_ =	shalt  }
0x83: {  	_ =	shalt  }
0x84: {  	_ =	shalt  }
0x85: {  	_ =	shalt  }
0x86: {  	_ =	shalt  }
0x87: {  	_ =	shalt  }
.Lfunc_end0:
.L_simem_size_0:
called_computation.1_lowered:
.L_overlay_start_0:
0x88: {  	s2 =	sld [smem:$0x3FD9]  }
0x89: {  	s3 =	sld [smem:$0x3FFE];
	_ =	sdelay $0x1  }
0x8a: {  	s1 =	srdreg.scid  }
0x8b: {  	s0 =	sand.u32 $0x1, s1  }
0x8c: {  	s17 =	sshll.u32 s0, $0xA;
	s2 =	sadd.s32 s3, s2  }
0x8d: {  	s2 =	sadd.s32 s2, s17  }
0x8e: {  	[smem:$0x3FC6] =	sst s2  }
0x8f: {  	_ = 	snop  }
0x90: {  	s2 =	sld [smem:$0x3FD0];
	(tm) =	ssettm $0x1  }
0x91: {  	s18 =	sld [smem:$0x3FFB];
	_ =	sdelay $0x3  }
0x92: {  	_ =	strace s18  }
0x93: {  	s3 =	sld [smem:$0x3FFC];
	_ =	sdelay $0x3  }
0x94: {  	_ =	strace s3  }
0x95: {  	s3 =	sld [smem:$0x3FFD];
	_ =	sdelay $0x3  }
0x96: {  	_ =	strace s3  }
0x97: {  	_ =	strace $0x8FFFFFFF  }
0x98: {  	s19 =	sld [smem:$0x3FDB];
	_ =	sdelay $0x1  }
0x99: {  	s4 =	simm.s32 $_scs_section_size  }
0x9a: {  	s5 =	simm.s32 $_size__tile_overlayer_lowered;
	s6 =	simm.s32 $_tile_overlayer_lowered  }
0x9b: {  	s22 =	simm.s32 $0x1BFF;
	s21 =	sshll.u32 s6, $0x1;
	s3 =	sadd.s32 s4, s19  }
0x9c: {  	s7 =	simm.s32 $0x0;
	s20 =	sshll.u32 s5, $0x1;
	s5 =	sadd.s32 s21, s3  }
0x9d: {  	[timem:s7], [sflag:s22] =	dma.local [hbm:s5], s20  }
0x9e: {  	_ =	swait.ge [sflag:s22], s20  }
0x9f: {  	s4 =	ssub.s32 $0x0, s20;
	[sflag:s22] =	ssyncset.done $0x0  }
0xa0: {  	[sflag:s22] =	ssyncadd.s32 s4;
	_ =	sdelay $0x1  }
0xa1: {  	s23 =	simm.s32 $0x1B8B  }
0xa2: {  	_ =	swait.ge [sflag:s23], $0x1  }
0xa3: {  	[sflag:s23] =	ssyncset.done $0x0  }
0xa4: {  	s25 =	simm.s32 $0x1B8E;
	s24 =	sld [smem:$0x3FFE];
	[sflag:s23] =	ssyncadd.s32 $0xFFFFFFFF  }
0xa5: {  	s26 =	simm.s32 $execute0_lowered;
	[smem:$0x3FD2] =	sst s25  }
0xa6: {  	s5 =	sshll.u32 s26, $0x1;
	_ =	strace $0x80000046;
	[dreg:$0x1] =	wrdreg $0xFFFFFFFF  }
0xa7: {  	s28 =	simm.s32 $_size_execute0_lowered;
	s3 =	sadd.s32 s3, s5;
	[dreg:$0x0] =	wrdreg $0x0  }
0xa8: {  	s5 =	sshll.u32 s28, $0x1;
	[dreg:$0x2] =	wrdreg s3  }
0xa9: {  	[dreg:$0x3] =	wrdreg s5  }
0xaa: {  	[dreg:$0x4] =	wrdreg $0xC0  }
0xab: {  	_ =	task [dreg:s7], $0x5FFFF  }
0xac: {  	[dreg:$0x1] =	wrdreg $0xFFFFFFFF  }
0xad: {  	[dreg:$0x0] =	wrdreg $0x60  }
0xae: {  	[dreg:$0x2] =	wrdreg s24  }
0xaf: {  	[dreg:$0x3] =	wrdreg s2  }
0xb0: {  	[dreg:$0x4] =	wrdreg $0x0  }
0xb1: {  	[dreg:$0x5] =	wrdreg $0x9  }
0xb2: {  	_ =	task.clear_ibuf [dreg:s7], $0x6FFFF;
	_ =	strace $0x90000046  }
0xb3: {  	s29 =	simm.s32 $0x9;
	_ =	strace $0x80000048  }
0xb4: {  	_ =	swait.ge [sflag:s29], $0x1  }
0xb5: {  	[sflag:s29] =	ssyncadd.s32 $0xFFFFFFFF  }
0xb6: {  	_ =	strace $0x90000048  }
0xb7: {  	_ =	sfence  }
0xb8: {  	s30 =	sld [smem:$0x0];
	_ =	sdelay $0x2  }
0xb9: {  	s31 =	sshll.u32 s1, $0xD;
	s1 =	sshrl.u32 s1, $0x2  }
0xba: {  	s3 =	sand.u32 $0x4000, s31;
	s1 =	sadd.s32 s1, s30  }
0xbb: {  	s0 =	sor.u32 s3, s0;
	s1 =	sshll.u32 s1, $0x11  }
0xbc: {  	s0 =	sor.u32 s1, s0  }
0xbd: {  	s0 =	sadd.s32 $0x8F2B, s0  }
0xbe: {  	[sflag:s0] =	ssyncadd.remote.s32 $0x1  }
0xbf: {  	_ =	sfence.sel $0xFFFF  }
0xc0: {  	[dreg:$0x0] =	wrdreg $0xFFFFFFFF;
	(pc) =	sbr.abs _section_cstart, $3  }
0xc1: {  	[dreg:$0x1] =	wrdreg $0xFFFFFFFF  }
0xc2: {  	_ =	task.clear_ibuf [dreg:s7], $0x2FFFF;
	_ =	strace $0x9FFFFFFF  }
0xc3: {  	(tm) =	ssettm $0x7FFFFFFF  }
tec
execute0_lowered:
.L_overlay_start_1:
0x0: {  	(tag) =	ssettag $0x1  }
0x1: {  	s0 =	rddreg [dreg:$0x0]  }
0x2: {  	s1 =	rddreg [dreg:$0x1]  }
0x3: {  	s2 =	rddreg [dreg:$0x2];
	s3 =	srdreg.scid  }
0x4: {  	s10 =	stileid.u32;
	s11 =	simm.s32 $0x3;
	s12 =	simm.s32 $0xFA0  }
0x5: {  	s13 =	simm.s32 $0x80;
	s14 =	simm.s32 $0x15E0;
	s15 =	simm.s32 $0x48  }
0x6: {  	s30 =	simm.s32 $0xCBE0;
	s31 =	simm.s32 $0x1;
	s16 =	simm.s32 $0x1450  }
0x7: {  	s17 =	simm.s32 $0x141E0;
	s18 =	simm.s32 $0x14D0;
	s19 =	simm.s32 $0x161E0  }
0x8: {  	s20 =	simm.s32 $0x1518;
	s4 =	sand.u32 $0x1, s3;
	s3 =	simm.s32 $0x0  }
0x9: {  	s5 =	sshll.u32 s10, $0xA;
	s21 =	sadd.s32 $0x2800, s0;
	s8 =	smul.u32 $0x190000, s10  }
0xa: {  	s0 =	sadd.s32 $0x800, s0;
	s9 =	smul.u32 $0x6400, s10;
	s23 =	sshll.u32 s10, $0x6  }
0xb: {  	s29 =	sshrl.u32 s2, $0x3;
	s10 =	simm.s32 $0x1408;
	s6 =	sshll.u32 s4, $0x9  }
0xc: {  	[smem:$0x7FF] =	sst s3;
	s7 =	ssub.s32 $0x2, s4;
	s24 =	smul.u32 $0x3200, s4  }
0xd: {  	s4 =	smul.u32 $0xC8000, s4;
	s5 =	sor.u32 s6, s5;
	_ =	strace $0x80000047  }
0xe: {  	[dreg:$0x4] =	wrdreg s0;
	s22 =	sshrl.u32 s7, $0x1;
	s25 =	sadd.s32 s9, s21  }
0xf: {  	s1 =	sadd.s32 s8, s1;
	[dreg:$0x9] =	wrdreg s29;
	s6 =	simm.s32 $0x1388  }
0x10: {  	s9 =	simm.s32 $0x12FE0;
	s5 =	smul.u32 $0x19, s5;
	s0 =	ssub.s32 s7, s22  }
0x11: {  	s7 =	sor.u32 $0x1C03, s23;
	s26 =	sadd.s32 s24, s25;
	s8 =	sadd.s32 s4, s1  }
0x12: {  	s1 =	simm.s32 $0xDDE0;
	s4 =	simm.s32 $0x1340;
	s22 =	simm.s32 $0x1598  }
.Ltmp0:
0x13: {  	s23 =	simm.s32 $0x193E0;
	s24 =	simm.s32 $0x2;
	(pc) =	sbr.rel .LBB2_1-.Ltmp0, $4  }
0x14: {  	[dreg:$0x5] =	wrdreg s7;
	s0 =	smax.u32 s0, $0x1;
	s28 =	sadd.s32 $0xC8, s26  }
0x15: {  	s7 =	simm.s32 $0x10FE0;
	s26 =	simm.s32 $0x0;
	[dreg:$0x7] =	wrdreg s0  }
0x16: {  	s5 =	sadd.s32 s21, s5;
	[dreg:$0x8] =	wrdreg s28;
	s0 =	simm.s32 $0x12C0  }
0x17: {  	s21 =	simm.s32 $0x173E0;
	[dreg:$0x6] =	wrdreg s5;
	s5 =	simm.s32 $0xFDE0  }
.LBB2_4:
0x18: {  	_ =	swait.ge [sflag:s24], $0xC800  }
0x19: {  	s26 =	rddreg [dreg:$0xa]  }
0x1a: {  	s25 =	rddreg [dreg:$0x7];
	s26 =	sadd.s32 $0x1, s26  }
0x1b: {  	p0 =	sne.s32 s26, s25  }
.Ltmp1:
0x1c: {  	_ = 	snop;
	(pc) =	sbr.rel @!p0 .LBB2_5-.Ltmp1, $3  }
0x1d: {  	_ =	sdelay $0x1  }
0x1e: {  	[sflag:s24] =	ssyncset.done $0x0  }
0x1f: {  	[sflag:s24] =	ssyncadd.s32 $0xFFFF3800  }
.LBB2_1:
0x20: {  	[dreg:$0xa] =	wrdreg s26  }
0x21: {  	s25 =	rddreg [dreg:$0x4]  }
0x22: {  	s29 =	rddreg [dreg:$0x5]  }
0x23: {  	s28 =	rddreg [dreg:$0x9]  }
0x24: {  	[spmem:s28], [sflag:s29] =	dma.local [hbm:s25], $0x1F40  }
0x25: {  	_ =	swait.ge [sflag:s11], $0x1F40  }
0x26: {  	[sflag:s11] =	ssyncset.done $0x0  }
0x27: {  	s26 =	rddreg [dreg:$0x6];
	[sflag:s11] =	ssyncadd.s32 $0xFFFFE0C0  }
0x28: {  	[tilespmem:s12], [sflag:$0x3] =	stream.linear.gather [hbm4b:s26+s3], $0x320, $0x38;
	[tilespmem:$0x1A5E0] =	vst v63  }
0x29: {  	_ =	swait.ge [sflag:s11], $0x320  }
0x2a: {  	[sflag:s11] =	ssyncset.done $0x0  }
0x2b: {  	[sflag:s11] =	ssyncadd.s32 $0xFFFFFCE0  }
0x2c: {  	[tilespmem:s14], [sflag:$0x1] =	stream.indirect.gather [spmem:s2], $0x40, s12, s13, $0xb8;
	[tilespmem:$0x1A5E0] =	vst v63  }
0x2d: {  	s28 =	simm.s32 $0x1020;
	s29 =	simm.s32 $0x35E0  }
0x2e: {  	[tilespmem:s29], [sflag:$0x1] =	stream.indirect.gather [spmem:s2], $0x40, s28, s15, $0xb8;
	[tilespmem:$0x1A5E0] =	vst v63  }
0x2f: {  	s28 =	simm.s32 $0x1068;
	s29 =	simm.s32 $0x47E0  }
0x30: {  	[tilespmem:s29], [sflag:$0x1] =	stream.indirect.gather [spmem:s2], $0x40, s28, s13, $0xb8;
	[tilespmem:$0x1A5E0] =	vst v63  }
0x31: {  	s28 =	simm.s32 $0x10E8;
	s29 =	simm.s32 $0x67E0  }
0x32: {  	[tilespmem:s29], [sflag:$0x1] =	stream.indirect.gather [spmem:s2], $0x40, s28, s15, $0xb8;
	[tilespmem:$0x1A5E0] =	vst v63  }
0x33: {  	s28 =	simm.s32 $0x1130;
	s29 =	simm.s32 $0x79E0  }
0x34: {  	[tilespmem:s29], [sflag:$0x1] =	stream.indirect.gather [spmem:s2], $0x40, s28, s13, $0xb8;
	[tilespmem:$0x1A5E0] =	vst v63  }
0x35: {  	s28 =	simm.s32 $0x11B0;
	s29 =	simm.s32 $0x99E0  }
0x36: {  	[tilespmem:s29], [sflag:$0x1] =	stream.indirect.gather [spmem:s2], $0x40, s28, s15, $0xb8;
	[tilespmem:$0x1A5E0] =	vst v63  }
0x37: {  	s26 =	simm.s32 $0x11F8;
	s28 =	simm.s32 $0xABE0  }
0x38: {  	[tilespmem:s28], [sflag:$0x1] =	stream.indirect.gather [spmem:s2], $0x40, s26, s13, $0xb8;
	[tilespmem:$0x1A5E0] =	vst v63  }
0x39: {  	s25 =	rddreg [dreg:$0x8];
	s29 =	simm.s32 $0x1278;
	s26 =	simm.s32 $0x0  }
0x3a: {  	[tilespmem:s30], [sflag:$0x1] =	stream.indirect.gather [spmem:s2], $0x40, s29, s15, $0xb8;
	[tilespmem:$0x1A5E0] =	vst v63  }
.LBB2_2:
0x3b: {  	_ =	swait.ge [sflag:s31], $0x2000  }
0x3c: {  	[sflag:s31] =	ssyncset.done $0x0  }
0x3d: {  	[sflag:s31] =	ssyncadd.s32 $0xFFFFE000  }
0x3e: {  	_ =	swait.ge [sflag:s31], $0x1200  }
0x3f: {  	[sflag:s31] =	ssyncset.done $0x0  }
0x40: {  	[sflag:s31] =	ssyncadd.s32 $0xFFFFEE00  }
0x41: {  	_ =	swait.ge [sflag:s31], $0x2000  }
0x42: {  	[sflag:s31] =	ssyncset.done $0x0  }
0x43: {  	[sflag:s31] =	ssyncadd.s32 $0xFFFFE000  }
0x44: {  	_ =	swait.ge [sflag:s31], $0x1200  }
0x45: {  	[sflag:s31] =	ssyncset.done $0x0  }
0x46: {  	[sflag:s31] =	ssyncadd.s32 $0xFFFFEE00  }
0x47: {  	_ =	swait.ge [sflag:s31], $0x2000  }
0x48: {  	[sflag:s31] =	ssyncset.done $0x0  }
0x49: {  	[sflag:s31] =	ssyncadd.s32 $0xFFFFE000  }
0x4a: {  	_ =	swait.ge [sflag:s31], $0x1200  }
0x4b: {  	[sflag:s31] =	ssyncset.done $0x0  }
0x4c: {  	[sflag:s31] =	ssyncadd.s32 $0xFFFFEE00  }
0x4d: {  	_ =	swait.ge [sflag:s31], $0x2000  }
0x4e: {  	[sflag:s31] =	ssyncset.done $0x0  }
0x4f: {  	[sflag:s31] =	ssyncadd.s32 $0xFFFFE000  }
0x50: {  	_ =	swait.ge [sflag:s31], $0x1200  }
0x51: {  	p0 =	seq.s32 s26, $0x0;
	[sflag:s31] =	ssyncset.done $0x0  }
0x52: {  	s28 =	sadd.s32 s26, s8;
	s29 =	simm.s32 @!p0 $0x2;
	[sflag:s31] =	ssyncadd.s32 $0xFFFFEE00  }
0x53: {  	[hbm4b:s28+s3] =	stream.linear.scatter [tilespmem:s14], [sflag:$0x2], $0xC800, $0x38;
	[tilespmem:$0x1A5E0] =	vst v63  }
0x54: {  	_ =	swait.ge @!p0 [sflag:s29], $0xC800  }
0x55: {  	[sflag:s29] =	ssyncset.done @!p0 $0x0  }
0x56: {  	[sflag:s29] =	ssyncadd.s32 @!p0 $0xFFFF3800;
	s29 =	sadd.s32 $0xFFFFFF9C, s25  }
0x57: {  	[tilespmem:s0], [sflag:$0x3] =	stream.linear.gather [hbm4b:s29+s3], $0x320, $0x38;
	[tilespmem:$0x1A5E0] =	vst v63  }
0x58: {  	_ =	swait.ge [sflag:s11], $0x320  }
0x59: {  	[sflag:s11] =	ssyncset.done $0x0  }
0x5a: {  	[sflag:s11] =	ssyncadd.s32 $0xFFFFFCE0  }
0x5b: {  	[tilespmem:s1], [sflag:$0x1] =	stream.indirect.gather [spmem:s2], $0x40, s0, s13, $0xb8;
	[tilespmem:$0x1A5E0] =	vst v63  }
0x5c: {  	_ = 	snop  }
0x5d: {  	[tilespmem:s5], [sflag:$0x1] =	stream.indirect.gather [spmem:s2], $0x40, s4, s15, $0xb8;
	[tilespmem:$0x1A5E0] =	vst v63  }
0x5e: {  	_ = 	snop  }
0x5f: {  	[tilespmem:s7], [sflag:$0x1] =	stream.indirect.gather [spmem:s2], $0x40, s6, s13, $0xb8;
	[tilespmem:$0x1A5E0] =	vst v63  }
0x60: {  	_ = 	snop  }
0x61: {  	[tilespmem:s9], [sflag:$0x1] =	stream.indirect.gather [spmem:s2], $0x40, s10, s15, $0xb8;
	[tilespmem:$0x1A5E0] =	vst v63  }
0x62: {  	_ = 	snop  }
0x63: {  	[tilespmem:s17], [sflag:$0x1] =	stream.indirect.gather [spmem:s2], $0x40, s16, s13, $0xb8;
	[tilespmem:$0x1A5E0] =	vst v63  }
0x64: {  	_ = 	snop  }
0x65: {  	[tilespmem:s19], [sflag:$0x1] =	stream.indirect.gather [spmem:s2], $0x40, s18, s15, $0xb8;
	[tilespmem:$0x1A5E0] =	vst v63  }
0x66: {  	_ = 	snop  }
0x67: {  	[tilespmem:s21], [sflag:$0x1] =	stream.indirect.gather [spmem:s2], $0x40, s20, s13, $0xb8;
	[tilespmem:$0x1A5E0] =	vst v63  }
0x68: {  	_ = 	snop  }
0x69: {  	[tilespmem:s23], [sflag:$0x1] =	stream.indirect.gather [spmem:s2], $0x40, s22, s15, $0xb8;
	[tilespmem:$0x1A5E0] =	vst v63  }
0x6a: {  	_ =	swait.ge [sflag:s31], $0x2000  }
0x6b: {  	[sflag:s31] =	ssyncset.done $0x0  }
0x6c: {  	[sflag:s31] =	ssyncadd.s32 $0xFFFFE000  }
0x6d: {  	_ =	swait.ge [sflag:s31], $0x1200  }
0x6e: {  	[sflag:s31] =	ssyncset.done $0x0  }
0x6f: {  	[sflag:s31] =	ssyncadd.s32 $0xFFFFEE00  }
0x70: {  	_ =	swait.ge [sflag:s31], $0x2000  }
0x71: {  	[sflag:s31] =	ssyncset.done $0x0  }
0x72: {  	[sflag:s31] =	ssyncadd.s32 $0xFFFFE000  }
0x73: {  	_ =	swait.ge [sflag:s31], $0x1200  }
0x74: {  	[sflag:s31] =	ssyncset.done $0x0  }
0x75: {  	[sflag:s31] =	ssyncadd.s32 $0xFFFFEE00  }
0x76: {  	_ =	swait.ge [sflag:s31], $0x2000  }
0x77: {  	[sflag:s31] =	ssyncset.done $0x0  }
0x78: {  	[sflag:s31] =	ssyncadd.s32 $0xFFFFE000  }
0x79: {  	_ =	swait.ge [sflag:s31], $0x1200  }
0x7a: {  	[sflag:s31] =	ssyncset.done $0x0  }
0x7b: {  	[sflag:s31] =	ssyncadd.s32 $0xFFFFEE00  }
0x7c: {  	_ =	swait.ge [sflag:s31], $0x2000  }
0x7d: {  	[sflag:s31] =	ssyncset.done $0x0  }
0x7e: {  	[sflag:s31] =	ssyncadd.s32 $0xFFFFE000  }
0x7f: {  	_ =	swait.ge [sflag:s31], $0x1200  }
0x80: {  	p0 =	seq.s32 s26, $0xC4E00;
	[sflag:s31] =	ssyncset.done $0x0  }
.Ltmp2:
0x81: {  	s28 =	sadd.s32 $0x1900, s28;
	[sflag:s31] =	ssyncadd.s32 $0xFFFFEE00;
	(pc) =	sbr.rel @p0 .LBB2_4-.Ltmp2, $4  }
0x82: {  	[hbm4b:s28+s3] =	stream.linear.scatter [tilespmem:s1], [sflag:$0x2], $0xC800, $0x38;
	[tilespmem:$0x1A5E0] =	vst v63  }
0x83: {  	_ =	swait.ge [sflag:s24], $0xC800  }
0x84: {  	[sflag:s24] =	ssyncset.done $0x0  }
0x85: {  	[sflag:s24] =	ssyncadd.s32 $0xFFFF3800  }
0x86: {  	[tilespmem:s12], [sflag:$0x3] =	stream.linear.gather [hbm4b:s25+s3], $0x320, $0x38;
	[tilespmem:$0x1A5E0] =	vst v63  }
0x87: {  	_ =	swait.ge [sflag:s11], $0x320  }
0x88: {  	[sflag:s11] =	ssyncset.done $0x0  }
0x89: {  	[sflag:s11] =	ssyncadd.s32 $0xFFFFFCE0  }
0x8a: {  	[tilespmem:s14], [sflag:$0x1] =	stream.indirect.gather [spmem:s2], $0x40, s12, s13, $0xb8;
	[tilespmem:$0x1A5E0] =	vst v63  }
0x8b: {  	s28 =	simm.s32 $0x1020;
	s29 =	simm.s32 $0x35E0  }
0x8c: {  	[tilespmem:s29], [sflag:$0x1] =	stream.indirect.gather [spmem:s2], $0x40, s28, s15, $0xb8;
	[tilespmem:$0x1A5E0] =	vst v63  }
0x8d: {  	s28 =	simm.s32 $0x1068;
	s29 =	simm.s32 $0x47E0  }
0x8e: {  	[tilespmem:s29], [sflag:$0x1] =	stream.indirect.gather [spmem:s2], $0x40, s28, s13, $0xb8;
	[tilespmem:$0x1A5E0] =	vst v63  }
0x8f: {  	s28 =	simm.s32 $0x10E8;
	s29 =	simm.s32 $0x67E0  }
0x90: {  	[tilespmem:s29], [sflag:$0x1] =	stream.indirect.gather [spmem:s2], $0x40, s28, s15, $0xb8;
	[tilespmem:$0x1A5E0] =	vst v63  }
0x91: {  	s28 =	simm.s32 $0x1130;
	s29 =	simm.s32 $0x79E0  }
0x92: {  	[tilespmem:s29], [sflag:$0x1] =	stream.indirect.gather [spmem:s2], $0x40, s28, s13, $0xb8;
	[tilespmem:$0x1A5E0] =	vst v63  }
0x93: {  	s28 =	simm.s32 $0x11B0;
	s29 =	simm.s32 $0x99E0  }
0x94: {  	[tilespmem:s29], [sflag:$0x1] =	stream.indirect.gather [spmem:s2], $0x40, s28, s15, $0xb8;
	[tilespmem:$0x1A5E0] =	vst v63  }
.Ltmp3:
0x95: {  	_ = 	snop;
	(pc) =	sbr.rel .LBB2_2-.Ltmp3, $4  }
0x96: {  	s28 =	simm.s32 $0x11F8;
	s29 =	simm.s32 $0xABE0  }
0x97: {  	[tilespmem:s29], [sflag:$0x1] =	stream.indirect.gather [spmem:s2], $0x40, s28, s13, $0xb8;
	[tilespmem:$0x1A5E0] =	vst v63  }
0x98: {  	s26 =	sadd.s32 $0x3200, s26;
	s25 =	sadd.s32 $0xC8, s25;
	s29 =	simm.s32 $0x1278  }
0x99: {  	[tilespmem:s30], [sflag:$0x1] =	stream.indirect.gather [spmem:s2], $0x40, s29, s15, $0xb8;
	[tilespmem:$0x1A5E0] =	vst v63  }
.LBB2_5:
0x9a: {  	_ =	sfence.sel $0x180000  }
0x9b: {  	[bflag:$0x0] =	sbarrier.arrive $0xFFFF  }
0x9c: {  	_ =	strace $0x90000047  }
0x9d: {  	s0 =	stileid.u32;
	[bflag:$0x2] =	sbarrier.arrive $0xFFFF  }
0x9e: {  	p0 =	sne.s32 s0, $0x0;
	s0 =	rddreg [dreg:$0x3]  }
0x9f: {  	s0 =	sadd.s32 @!p0 $0x100000, s0  }
0xa0: {  	[sflag:s0] =	ssyncadd.tile.s32 @!p0 $0x1;
	_ =	shalt  }
.Lfunc_end2:
_tile_overlayer_lowered:
.L_overlay_start_2:
0xa1: {  	(tag) =	ssettag $0x2  }
0xa2: {  	s0 =	rddreg [dreg:$0x0];
	s2 =	stileid.u32  }
0xa3: {  	s1 =	rddreg [dreg:$0x1];
	p0 =	sne.s32 s2, $0x0  }
0xa4: {  	s3 =	rddreg [dreg:$0x2];
	[bflag:$0x3] =	sbarrier.arrive $0xFFFF;
	s2 =	simm.s32 @!p0 $0x1C03  }
0xa5: {  	[timem:s3], [sflag:s2] =	dma.local @!p0 [hbm:s0], s1  }
0xa6: {  	s0 =	simm.s32 @!p0 $0x3  }
0xa7: {  	_ =	swait.ge @!p0 [sflag:s0], s1  }
0xa8: {  	s1 =	ssub.s32 @!p0 $0x0, s1;
	[sflag:s0] =	ssyncset.done @!p0 $0x0  }
0xa9: {  	[sflag:s0] =	ssyncadd.s32 @!p0 s1  }
0xaa: {  	[bflag:$0x3] =	sbarrier.arrive $0xFFFF  }
0xab: {  	_ =	shalt  }

// kernel: sparse-core-data-format-call.cloned.1.call-start
scs
called_computation_lowered:
.L_overlay_start_0:
0x0: {  	s2 =	sld [smem:$0x3FD9]  }
0x1: {  	s3 =	sld [smem:$0x3FFE];
	_ =	sdelay $0x1  }
0x2: {  	s1 =	srdreg.scid  }
0x3: {  	s0 =	sand.u32 $0x1, s1  }
0x4: {  	s18 =	sshll.u32 s0, $0xA;
	s2 =	sadd.s32 s3, s2  }
0x5: {  	s2 =	sadd.s32 s2, s18  }
0x6: {  	[smem:$0x3FC6] =	sst s2  }
0x7: {  	_ = 	snop  }
0x8: {  	s2 =	sld [smem:$0x3FD0];
	(tm) =	ssettm $0x1  }
0x9: {  	s19 =	sld [smem:$0x3FFB];
	_ =	sdelay $0x3  }
0xa: {  	_ =	strace s19  }
0xb: {  	s3 =	sld [smem:$0x3FFC];
	_ =	sdelay $0x3  }
0xc: {  	_ =	strace s3  }
0xd: {  	s3 =	sld [smem:$0x3FFD];
	_ =	sdelay $0x3  }
0xe: {  	_ =	strace s3  }
0xf: {  	_ =	strace $0x8FFFFFFF  }
0x10: {  	s20 =	sld [smem:$0x3FDB];
	_ =	sdelay $0x1  }
0x11: {  	s4 =	simm.s32 $_scs_section_size  }
0x12: {  	s5 =	simm.s32 $_size__tile_overlayer_lowered;
	s6 =	simm.s32 $_tile_overlayer_lowered  }
0x13: {  	s23 =	simm.s32 $0x1BFF;
	s22 =	sshll.u32 s6, $0x1;
	s3 =	sadd.s32 s4, s20  }
0x14: {  	s7 =	simm.s32 $0x0;
	s21 =	sshll.u32 s5, $0x1;
	s5 =	sadd.s32 s22, s3  }
0x15: {  	[timem:s7], [sflag:s23] =	dma.local [hbm:s5], s21  }
0x16: {  	_ =	swait.ge [sflag:s23], s21  }
0x17: {  	s4 =	ssub.s32 $0x0, s21;
	[sflag:s23] =	ssyncset.done $0x0  }
0x18: {  	[sflag:s23] =	ssyncadd.s32 s4;
	_ =	sdelay $0x1  }
0x19: {  	s24 =	simm.s32 $0x1B8B  }
0x1a: {  	_ =	swait.ge [sflag:s24], $0x1  }
0x1b: {  	[sflag:s24] =	ssyncset.done $0x0  }
0x1c: {  	s26 =	simm.s32 $0x1B8E;
	s25 =	sld [smem:$0x3FFE];
	[sflag:s24] =	ssyncadd.s32 $0xFFFFFFFF  }
0x1d: {  	s27 =	simm.s32 $execute0_lowered;
	[smem:$0x3FD2] =	sst s26  }
0x1e: {  	s5 =	sshll.u32 s27, $0x1;
	_ =	strace $0x80000049;
	[dreg:$0x1] =	wrdreg $0xFFFFFFFF  }
0x1f: {  	s28 =	simm.s32 $_size_execute0_lowered;
	s3 =	sadd.s32 s3, s5;
	[dreg:$0x0] =	wrdreg $0x0  }
0x20: {  	s5 =	sshll.u32 s28, $0x1;
	[dreg:$0x2] =	wrdreg s3  }
0x21: {  	[dreg:$0x3] =	wrdreg s5  }
0x22: {  	[dreg:$0x4] =	wrdreg $0xC0  }
0x23: {  	_ =	task [dreg:s7], $0x5FFFF  }
0x24: {  	[dreg:$0x1] =	wrdreg $0xFFFFFFFF  }
0x25: {  	[dreg:$0x0] =	wrdreg $0x60  }
0x26: {  	[dreg:$0x2] =	wrdreg s25  }
0x27: {  	[dreg:$0x3] =	wrdreg s2  }
0x28: {  	[dreg:$0x4] =	wrdreg $0x9  }
0x29: {  	_ =	task.clear_ibuf [dreg:s7], $0x5FFFF;
	_ =	strace $0x90000049  }
0x2a: {  	s29 =	simm.s32 $0x9;
	_ =	strace $0x8000004B  }
0x2b: {  	_ =	swait.ge [sflag:s29], $0x1  }
0x2c: {  	[sflag:s29] =	ssyncadd.s32 $0xFFFFFFFF  }
0x2d: {  	_ =	strace $0x9000004B  }
0x2e: {  	_ =	sfence  }
0x2f: {  	s30 =	sld [smem:$0x0];
	_ =	sdelay $0x2  }
0x30: {  	s31 =	sshll.u32 s1, $0xD;
	s1 =	sshrl.u32 s1, $0x2  }
0x31: {  	s3 =	sand.u32 $0x4000, s31;
	s1 =	sadd.s32 s1, s30  }
0x32: {  	s0 =	sor.u32 s3, s0;
	s1 =	sshll.u32 s1, $0x11  }
0x33: {  	s0 =	sor.u32 s1, s0  }
0x34: {  	s0 =	sadd.s32 $0x8F2B, s0  }
0x35: {  	[sflag:s0] =	ssyncadd.remote.s32 $0x1  }
0x36: {  	_ =	sfence.sel $0xFFFF  }
0x37: {  	[dreg:$0x0] =	wrdreg $0xFFFFFFFF;
	(pc) =	sbr.abs _section_cstart, $3  }
0x38: {  	[dreg:$0x1] =	wrdreg $0xFFFFFFFF  }
0x39: {  	_ =	task.clear_ibuf [dreg:s7], $0x2FFFF;
	_ =	strace $0x9FFFFFFF  }
0x3a: {  	(tm) =	ssettm $0x7FFFFFFF  }
0x3b: {  	_ =	shalt  }
tec
execute0_lowered:
.L_overlay_start_1:
0x0: {  	(tag) =	ssettag $0x1  }
0x1: {  	s0 =	srdreg.scid  }
0x2: {  	s1 =	sshll.u32 s0, $0x4  }
0x3: {  	s0 =	stileid.u32;
	s1 =	sand.u32 $0x10, s1  }
0x4: {  	s1 =	sor.u32 s0, s1  }
0x5: {  	s6 =	rddreg [dreg:$0x0];
	s4 =	simm.s32 $0x1;
	s2 =	sshll.u32 s1, $0x7  }
0x6: {  	s7 =	simm.s32 $0x2;
	s12 =	simm.s32 $0x0;
	s1 =	ssub.s32 $0x4000, s2  }
0x7: {  	s8 =	simm.s32 $0x20000;
	s13 =	simm.s32 $0x0;
	s3 =	sand.u32 $0xF80, s1  }
0x8: {  	s9 =	simm.s32 $0x0;
	s5 =	sshrl.u32 s1, $0xC;
	p0 =	sne.s32 s3, $0x0  }
.Ltmp0:
0x9: {  	s1 =	rddreg [dreg:$0x2];
	s4 =	simm.s32 @!p0 $0x0;
	(pc) =	sbr.rel .LBB1_1-.Ltmp0, $4  }
0xa: {  	s11 =	simm.s32 $0x0;
	s3 =	rddreg [dreg:$0x1];
	s5 =	sadd.s32 s4, s5  }
0xb: {  	_ =	strace $0x8000004A;
	s4 =	simm.s32 $0x1;
	s5 =	smul.u32 $0xC8, s5  }
0xc: {  	s6 =	sadd.s32 $0x800, s6;
	s10 =	smov.u32 s2;
	[sflag:s4] =	ssyncpa.u1 $0x0  }
0xd: {  	p0 =	por $0x0, $0x0;
	[sflag:s7] =	ssyncpa.u1 $0x0;
	s7 =	sor.u32 $0x1, s5  }
.LBB1_4:
0xe: {  	s16 =	sshll.u32 s13, $0x3;
	s17 =	sand.u32 $0x78, s13  }
0xf: {  	s30 =	sand.u32 $0x1F800, s13;
	s12 =	sshll.u32 s12, $0x11;
	s16 =	sand.u32 $0x3C00, s16  }
0x10: {  	[tilespmem:s15+$0x810 ss:$0x81] =	vst.msk $0xffff, v2;
	s31 =	sand.u32 $0x7, s13;
	s16 =	sor.u32 s17, s16;
	s17 =	sadd.s32 s3, s30  }
0x11: {  	[tilespmem:s15+$0x1020 ss:$0x81] =	vst.msk $0xffff, v0;
	s13 =	sshll.u32 s31, $0x12;
	s12 =	sadd.s32 s12, s17;
	s16 =	sshrl.u32 s16, $0x3  }
0x12: {  	[tilespmem:s15+$0x0 ss:$0x81] =	vst.msk $0xffff, v1;
	s13 =	sor.u32 $0x400, s13;
	s12 =	sadd.s32 s16, s12  }
0x13: {  	[hbm4b:s12+s13] =	stream.strided.scatter [tilespmem:s14], [sflag:$0x2], $0x2000, s8, s13, $0x20;
	[tilespmem:$0x8080] =	vst v63  }
.LBB1_5:
0x14: {  	s14 =	sadd.s32 $0x1, s9  }
0x15: {  	s12 =	sadd.s32 $0x1000, s10;
	s16 =	smov.u32 s10;
	p2 =	sgt.s32 s14, $0xC7  }
0x16: {  	s16 =	smov.u32 @p2 s12  }
0x17: {  	s14 =	simm.s32 @p2 $0x0;
	p2 =	sgt.s32 s16, $0x3FFF  }
0x18: {  	s16 =	smov.u32 @p2 s2;
	p2 =	sne.s32 s11, s7  }
.Ltmp1:
0x19: {  	p1 =	slt.u32 s11, $0x2;
	(pc) =	sbr.rel @!p2 .LBB1_6-.Ltmp1, $4  }
0x1a: {  	s15 =	simm.s32 @!p1 $0x2  }
0x1b: {  	s13 =	smov.u32 s10;
	p0 =	por !p0, !p0;
	_ =	swait.ge @!p1 [sflag:s15], $0x2000  }
0x1c: {  	s12 =	smov.u32 s9;
	[sflag:s15] =	ssyncset.done @!p1 $0x0;
	s9 =	smov.u32 s14  }
0x1d: {  	s11 =	sadd.s32 $0x1, s11;
	[sflag:s15] =	ssyncadd.s32 @!p1 $0xFFFFE000;
	s10 =	smov.u32 s16  }
.LBB1_1:
0x1e: {  	p1 =	sge.u32 s11, s5  }
0x1f: {  	s14 =	sand.u32 @!p1 $0x1FFFFFF, s9  }
0x20: {  	s15 =	smulhi.u32 @!p1 $0x147AE15, s14;
	_ =	sdelay $0x1  }
0x21: {  	s15 =	smul.u32 @!p1 $0xC8, s15  }
0x22: {  	s16 =	sxor.u32 @!p1 $0xFFFFFFFF, s11;
	s17 =	smul.u32 @!p1 $0xC80, s10  }
0x23: {  	s31 =	sadd.s32 $0xFFFFFFFF, s11;
	s16 =	sshll.u32 @!p1 s16, $0xD;
	s14 =	ssub.s32 @!p1 s14, s15  }
0x24: {  	s15 =	sand.u32 @!p1 $0x2000, s16;
	s16 =	sadd.s32 @!p1 s6, s17;
	s14 =	sshll.u32 @!p1 s14, $0x4  }
0x25: {  	s17 =	simm.s32 @!p1 $0x6400;
	s14 =	sadd.s32 @!p1 s14, s16;
	s16 =	simm.s32 @!p1 $0x40  }
0x26: {  	[tilespmem:s15], [sflag:$0x1] =	stream.strided.gather @!p1 [hbm4b:s14+s16], $0x2000, s17, s16, $0x38;
	[tilespmem:$0x8080] =	vst v63  }
0x27: {  	p1 =	sge.u32 s31, s5  }
.Ltmp2:
0x28: {  	_ = 	snop;
	(pc) =	sbr.rel @p1 .LBB1_5-.Ltmp2, $1  }
0x29: {  	_ =	sdelay $0x3  }
0x2a: {  	s14 =	simm.s32 $0x1  }
0x2b: {  	_ =	swait.ge [sflag:s4], $0x2000;
	s14 =	simm.s32 @!p0 $0x0  }
0x2c: {  	[sflag:s4] =	ssyncset.done $0x0;
	s15 =	sshll.u32 s14, $0xD  }
0x2d: {  	[sflag:s4] =	ssyncadd.s32 $0xFFFFE000;
	s18 =	sor.u32 $0x20, s15  }
0x2e: {  	s14 =	smul.u32 $0x8100, s14;
	v3 =	vld [tilespmem:s18+$0x10]  }
0x2f: {  	s30 =	sand.u32 $0x1, s11;
	v2 =	vld [tilespmem:s18+$0xFFFFFFF0]  }
0x30: {  	s15 =	smul.u32 $0x8100, s30;
	s14 =	sshrl.u32 s14, $0x2;
	v0 =	vld [tilespmem:s18+$0x0]  }
0x31: {  	v1 =	vld [tilespmem:s18+$0xFFFFFFE0];
	s16 =	sor.u32 $0x4000, s14  }
0x32: {  	s31 =	sshrl.u32 s15, $0x2;
	s15 =	sadd.s32 $0x0, s16  }
0x33: {  	s17 =	simm.s32 $0x4;
	s18 =	sadd.s32 $0x40, s18;
	s14 =	sor.u32 $0x4000, s31;
	[tilespmem:s15+$0x1830 ss:$0x81] =	vst.msk $0xffff, v3  }
.LBB1_3:
0x34: {  	v3 =	vld [tilespmem:s18+$0x10];
	p1 =	sne.s32 s17, $0x1FC;
	[tilespmem:s15+$0x810 ss:$0x81] =	vst.msk $0xffff, v2;
	s19 =	smov.u32 s17;
	s17 =	sadd.s32 $0x4, s17  }
.Ltmp3:
0x35: {  	v2 =	vld [tilespmem:s18+$0xFFFFFFF0];
	[tilespmem:s15+$0x1020 ss:$0x81] =	vst.msk $0xffff, v0;
	(pc) =	sbr.rel @p1 .LBB1_3-.Ltmp3, $4  }
0x36: {  	v0 =	vld [tilespmem:s18+$0x0];
	[tilespmem:s15+$0x0 ss:$0x81] =	vst.msk $0xffff, v1  }
0x37: {  	s15 =	sshra.s32 s19, $0x2;
	v1 =	vld [tilespmem:s18+$0xFFFFFFE0]  }
0x38: {  	s15 =	sadd.s32 s15, s16  }
0x39: {  	s18 =	sadd.s32 $0x40, s18;
	[tilespmem:s15+$0x1830 ss:$0x81] =	vst.msk $0xffff, v3  }
.Ltmp4:
0x3a: {  	_ = 	snop;
	(pc) =	sbr.rel .LBB1_4-.Ltmp4, $1  }
0x3b: {  	_ =	sdelay $0x3  }
.LBB1_6:
0x3c: {  	_ =	sfence.sel $0x180000  }
0x3d: {  	s2 =	simm.s32 $0x1;
	[bflag:$0x0] =	sbarrier.arrive $0xFFFF  }
0x3e: {  	s31 =	simm.s32 $0x2;
	[sflag:s2] =	ssyncpa.u1 $0x1  }
0x3f: {  	[sflag:s31] =	ssyncpa.u1 $0x1  }
0x40: {  	p0 =	sne.s32 s0, $0x0;
	_ =	strace $0x9000004A  }
0x41: {  	s0 =	sadd.s32 @!p0 $0x100000, s1;
	[bflag:$0x2] =	sbarrier.arrive $0xFFFF  }
0x42: {  	[sflag:s0] =	ssyncadd.tile.s32 @!p0 $0x1;
	_ =	shalt  }
.Lfunc_end1:
_tile_overlayer_lowered:
.L_overlay_start_2:
0x43: {  	(tag) =	ssettag $0x2  }
0x44: {  	s0 =	rddreg [dreg:$0x0];
	s2 =	stileid.u32  }
0x45: {  	s1 =	rddreg [dreg:$0x1];
	p0 =	sne.s32 s2, $0x0  }
0x46: {  	s3 =	rddreg [dreg:$0x2];
	[bflag:$0x3] =	sbarrier.arrive $0xFFFF;
	s2 =	simm.s32 @!p0 $0x1C01  }
0x47: {  	[timem:s3], [sflag:s2] =	dma.local @!p0 [hbm:s0], s1  }
0x48: {  	s0 =	simm.s32 @!p0 $0x1  }
0x49: {  	_ =	swait.ge @!p0 [sflag:s0], s1  }
0x4a: {  	s1 =	ssub.s32 @!p0 $0x0, s1;
	[sflag:s0] =	ssyncset.done @!p0 $0x0  }
0x4b: {  	[sflag:s0] =	ssyncadd.s32 @!p0 s1  }
0x4c: {  	[bflag:$0x3] =	sbarrier.arrive $0xFFFF  }
0x4d: {  	_ =	shalt  }

</sc_bundles>
